<compile_context>
chip_gen: v7x
topology: tpu7x:2x2x1
jax: 0.10.2.dev20260603
libtpu: 0.0.44.dev20260713+nightly
codegen_flags: <defaults>
</compile_context>

<pallas_src>
import functools

import jax
import jax.numpy as jnp
from jax import lax
from jax.experimental import pallas as pl
from jax.experimental.pallas import tpu as pltpu
from jax.experimental.pallas import tpu_sc as plsc

N_NODES = 10000
N_EDGES = 320000
D_FEAT = 128
D_EDGE = 16

NUM_CORES = 2
NUM_SUBCORES = 16
NUM_TILES = NUM_CORES * NUM_SUBCORES

BLOCK_E = 80
N_BLOCKS = 4096
E_PAD = N_BLOCKS * BLOCK_E
N_PAD = 10112
ROWS_PER_SUBCORE = N_PAD // NUM_SUBCORES

EDGE_MLP_BLOCK = 8192


def _sc_aggregate(hp, srcp, dstp, em, z_ah):
    mesh = plsc.VectorSubcoreMesh(core_axis_name="c", subcore_axis_name="s")

    @functools.partial(
        pl.kernel,
        out_type=jax.ShapeDtypeStruct((NUM_CORES * N_PAD, D_FEAT),
                                      jnp.float32),
        mesh=mesh,
        scratch_types=[
            pltpu.VMEM((BLOCK_E, D_FEAT), jnp.float32),
            pltpu.VMEM_SHARED((N_PAD, D_FEAT), jnp.float32),
        ],
    )
    def sc_kernel(hp_hbm, src_hbm, dst_hbm, em_hbm, zah_hbm,
                  ah_out, rows_v, sh_ah):
        c = lax.axis_index("c")
        s = lax.axis_index("s")
        r0 = s * ROWS_PER_SUBCORE

        pltpu.sync_copy(zah_hbm, sh_ah.at[pl.ds(r0, ROWS_PER_SUBCORE)])
        plsc.subcore_barrier()

        def body(src_win, dst_win, em_win):
            pltpu.sync_copy(hp_hbm.at[src_win.at[0]], rows_v)
            pltpu.sync_copy(rows_v, sh_ah.at[dst_win.at[0]], add=True)
            pltpu.sync_copy(em_win, sh_ah.at[dst_win.at[0]], add=True)

        pltpu.emit_pipeline(
            body,
            grid=(N_BLOCKS,),
            in_specs=[
                pl.BlockSpec((1, BLOCK_E), index_map=lambda i: (i, 0)),
                pl.BlockSpec((1, BLOCK_E), index_map=lambda i: (i, 0)),
                pl.BlockSpec((BLOCK_E, D_FEAT), index_map=lambda i: (i, 0)),
            ],
            out_specs=[],
            core_axis_name=("c", "s"),
            dimension_semantics=(pltpu.PARALLEL,),
        )(src_hbm, dst_hbm, em_hbm)

        plsc.subcore_barrier()

        pltpu.sync_copy(sh_ah.at[pl.ds(r0, ROWS_PER_SUBCORE)],
                        ah_out.at[pl.ds(c * N_PAD + r0, ROWS_PER_SUBCORE)])

    return sc_kernel(hp, srcp, dstp, em, z_ah)


def _edge_mlp_body(ea_ref, we_ref, out_ref):
    out_ref[...] = jnp.dot(ea_ref[...], we_ref[...],
                           preferred_element_type=jnp.float32)


def _tc_edge_mlp(eap, We):
    return pl.pallas_call(
        _edge_mlp_body,
        grid=(E_PAD // EDGE_MLP_BLOCK,),
        in_specs=[
            pl.BlockSpec((EDGE_MLP_BLOCK, D_EDGE), lambda i: (i, 0)),
            pl.BlockSpec((D_EDGE, D_FEAT), lambda i: (0, 0)),
        ],
        out_specs=pl.BlockSpec((EDGE_MLP_BLOCK, D_FEAT), lambda i: (i, 0)),
        out_shape=jax.ShapeDtypeStruct((E_PAD, D_FEAT), jnp.float32),
    )(eap, We)


ROWS_PER_TC_BLOCK = 1000


def _tc_combine_body(ah_ref, w1_ref, b1_ref, w2_ref, b2_ref, out_ref):
    agg = ah_ref[0] + ah_ref[1]
    h1 = jnp.maximum(
        jnp.dot(agg, w1_ref[...], preferred_element_type=jnp.float32)
        + b1_ref[...], 0.0)
    out_ref[...] = (jnp.dot(h1, w2_ref[...], preferred_element_type=jnp.float32)
                    + b2_ref[...])


def _tc_combine(ah, W1, b12, W2, b22):
    grid = N_NODES // ROWS_PER_TC_BLOCK
    return pl.pallas_call(
        _tc_combine_body,
        grid=(grid,),
        in_specs=[
            pl.BlockSpec((NUM_CORES, ROWS_PER_TC_BLOCK, D_FEAT),
                         lambda i: (0, i, 0)),
            pl.BlockSpec((D_FEAT, D_FEAT), lambda i: (0, 0)),
            pl.BlockSpec((1, D_FEAT), lambda i: (0, 0)),
            pl.BlockSpec((D_FEAT, D_FEAT), lambda i: (0, 0)),
            pl.BlockSpec((1, D_FEAT), lambda i: (0, 0)),
        ],
        out_specs=pl.BlockSpec((ROWS_PER_TC_BLOCK, D_FEAT), lambda i: (i, 0)),
        out_shape=jax.ShapeDtypeStruct((N_NODES, D_FEAT), jnp.float32),
    )(ah, W1, b12, W2, b22)


def kernel(H, edge_index, edge_attr, We, be, W1, b1, W2, b2):
    src = edge_index[0].astype(jnp.int32)
    dst = edge_index[1].astype(jnp.int32)
    pad = E_PAD - N_EDGES
    srcp = jnp.concatenate([src, jnp.full((pad,), N_NODES, jnp.int32)]
                           ).reshape(N_BLOCKS, BLOCK_E)
    dstp = jnp.concatenate([dst, jnp.full((pad,), N_NODES, jnp.int32)]
                           ).reshape(N_BLOCKS, BLOCK_E)
    eap = jnp.concatenate(
        [edge_attr.astype(jnp.float32), jnp.zeros((pad, D_EDGE), jnp.float32)])
    hp = jnp.concatenate(
        [H.astype(jnp.float32) + be[None, :].astype(jnp.float32),
         jnp.zeros((N_PAD - N_NODES, D_FEAT), jnp.float32)])
    z_ah = jnp.zeros((ROWS_PER_SUBCORE, D_FEAT), jnp.float32)

    em = _tc_edge_mlp(eap, We.astype(jnp.float32))
    ah_flat = _sc_aggregate(hp, srcp, dstp, em, z_ah)
    ah = ah_flat.reshape(NUM_CORES, N_PAD, D_FEAT)

    return _tc_combine(ah,
                       W1.astype(jnp.float32), b1.reshape(1, D_FEAT),
                       W2.astype(jnp.float32), b2.reshape(1, D_FEAT))

# --- scband reference (transcript-rebuilt; emitter-appended) ---
"""Pipeline reference for scband-ginelayer-30116310679888 (READ-ONLY COPY).

The authoritative reference and input builder live on the scoring server;
editing this copy changes nothing except your own understanding.
"""

import jax, jax.numpy as jnp
import numpy as np

N_NODES = 10000
N_EDGES = 320000
D_FEAT = 128
D_OUT = 128
D_EDGE = 16


def setup_inputs(seed: int = 0) -> dict:
    key = jax.random.key(seed)
    k1, k2, k3, k4, k5, k6, k7, k8, k9, k10 = jax.random.split(key, 10)
    H = jax.random.normal(k1, (N_NODES, D_FEAT), dtype=jnp.float32)
    edge_index = jax.random.randint(k2, (2, N_EDGES), 0, N_NODES, dtype=jnp.int64)
    edge_attr = jax.random.normal(k3, (N_EDGES, D_EDGE), dtype=jnp.float32)
    # edge_mlp: Linear(edge_attr_dim -> in_features)
    We = jax.random.normal(k4, (D_EDGE, D_FEAT), dtype=jnp.float32) * (1.0 / np.sqrt(D_EDGE))
    be = jax.random.normal(k5, (D_FEAT,), dtype=jnp.float32) * 0.01
    # node_mlp: Linear(in -> out), ReLU, Linear(out -> out)
    W1 = jax.random.normal(k6, (D_FEAT, D_OUT), dtype=jnp.float32) * (1.0 / np.sqrt(D_FEAT))
    b1 = jax.random.normal(k7, (D_OUT,), dtype=jnp.float32) * 0.01
    W2 = jax.random.normal(k8, (D_OUT, D_OUT), dtype=jnp.float32) * (1.0 / np.sqrt(D_OUT))
    b2 = jax.random.normal(k9, (D_OUT,), dtype=jnp.float32) * 0.01
    return {"H": H, "edge_index": edge_index, "edge_attr": edge_attr,
            "We": We, "be": be, "W1": W1, "b1": b1, "W2": W2, "b2": b2}


def reference(H, edge_index, edge_attr, We, be, W1, b1, W2, b2):
    edge_attr = edge_attr.astype(H.dtype)
    edge_messages = edge_attr @ We + be          # edge_mlp
    src = edge_index[0]
    dst = edge_index[1]
    messages = jnp.take(H, src, axis=0) + edge_messages   # gather
    aggregated = jax.ops.segment_sum(messages, dst, num_segments=H.shape[0])  # scatter_add
    h1 = jnp.maximum(aggregated @ W1 + b1, 0.0)  # Linear + ReLU
    out = h1 @ W2 + b2                           # Linear
    return out

if __name__ == "__main__":
    import jax
    _d = setup_inputs()
    print(jax.jit(kernel)(*tuple(_d.values())))

</pallas_src>

<mosaic_0001>
#map = affine_map<(d0, d1) -> (0, 0)>
module attributes {stable_mosaic.version = 14 : i64} {
  func.func @sc_kernel(%arg0: i32, %arg1: i32, %arg2: memref<10112x128xf32, #tpu.memory_space<hbm>>, %arg3: memref<4096x80xi32, #tpu.memory_space<hbm>>, %arg4: memref<4096x80xi32, #tpu.memory_space<hbm>>, %arg5: memref<327680x128xf32, #tpu.memory_space<hbm>>, %arg6: memref<632x128xf32, #tpu.memory_space<hbm>>, %arg7: memref<20224x128xf32, #tpu.memory_space<hbm>>, %arg8: memref<80x128xf32, #tpu.memory_space<vmem>>, %arg9: memref<10112x128xf32, #tpu.memory_space<vmem_shared>>) attributes {dimension_semantics = [#tpu.dimension_semantics<core_parallel>, #tpu.dimension_semantics<subcore_parallel>], iteration_bounds = array<i64: 2, 16>, scalar_prefetch = 0 : i64, scratch_operands = 2 : i64, tpu.core_type = #tpu.core_type<sc_vector_subcore>, window_params = [{transform_indices = #map}, {transform_indices = #map}, {transform_indices = #map}, {transform_indices = #map}, {transform_indices = #map}, {transform_indices = #map}]} {
    %mul3A = arith.constant 632 : i32
    %mul3A_0 = arith.muli %arg1, %mul3A : i32
    "tpu.region"() ({
      %run_scoped3A = tpu.sem_alloc : memref<!tpu.dma_semaphore, #tpu.memory_space<semaphore_mem>>
      %dma_start3A = arith.constant 0 : i32
      %dma_start3A_13 = tpu.memref_slice %arg9[%mul3A_0, %dma_start3A] : memref<10112x128xf32, #tpu.memory_space<vmem_shared>> -> memref<632x128xf32, #tpu.memory_space<vmem_shared>>
      tpu.enqueue_dma source(%arg6 : memref<632x128xf32, #tpu.memory_space<hbm>>) target(%dma_start3A_13 : memref<632x128xf32, #tpu.memory_space<vmem_shared>>) target_semaphore(%run_scoped3A : memref<!tpu.dma_semaphore, #tpu.memory_space<semaphore_mem>>)
      %dma_wait3A = arith.constant 0 : i32
      %dma_wait3A_14 = tpu.memref_slice %arg9[%mul3A_0, %dma_wait3A] : memref<10112x128xf32, #tpu.memory_space<vmem_shared>> -> memref<632x128xf32, #tpu.memory_space<vmem_shared>>
      tpu.wait_dma2 semaphore(%run_scoped3A : memref<!tpu.dma_semaphore, #tpu.memory_space<semaphore_mem>>) src(%arg6 : memref<632x128xf32, #tpu.memory_space<hbm>>) dst(%dma_wait3A_14 : memref<632x128xf32, #tpu.memory_space<vmem_shared>>)
      tpu.yield
    }) : () -> ()
    %barrier3A = arith.constant 0 : index
    tpu.barrier barrier_id(%barrier3A)
    %mul3A_1 = arith.constant 1 : i32
    %mul3A_2 = arith.muli %arg1, %mul3A_1 : i32
    %add3A = arith.constant 0 : i32
    %add3A_3 = arith.addi %add3A, %mul3A_2 : i32
    %mul3A_4 = arith.constant 16 : i32
    %mul3A_5 = arith.muli %arg0, %mul3A_4 : i32
    %add3A_6 = arith.addi %add3A_3, %mul3A_5 : i32
    %mul3A_7 = arith.constant 128 : i32
    %mul3A_8 = arith.muli %add3A_6, %mul3A_7 : i32
    "tpu.region"() ({
      %run_scoped3A = memref.alloca() : memref<2x1x80xi32, #tpu.memory_space<vmem>>
      %run_scoped3A_13 = tpu.sem_alloc : memref<2x!tpu.dma_semaphore, #tpu.memory_space<semaphore_mem>>
      %run_scoped3A_14 = memref.alloca() : memref<2x1x80xi32, #tpu.memory_space<vmem>>
      %run_scoped3A_15 = tpu.sem_alloc : memref<2x!tpu.dma_semaphore, #tpu.memory_space<semaphore_mem>>
      %run_scoped3A_16 = memref.alloca() : memref<2x80x128xf32, #tpu.memory_space<vmem>>
      %run_scoped3A_17 = tpu.sem_alloc : memref<2x!tpu.dma_semaphore, #tpu.memory_space<semaphore_mem>>
      %add3A_18 = arith.constant 0 : i32
      %add3A_19 = arith.addi %add3A_18, %mul3A_8 : i32
      %select_n3A = arith.constant true
      %select_n3A_20 = arith.constant 0 : i32
      %select_n3A_21 = arith.constant -1 : i32
      %select_n3A_22 = arith.select %select_n3A, %select_n3A_21, %select_n3A_20 : i32
      %eq3A = arith.constant -1 : i32
      %eq3A_23 = arith.cmpi eq, %select_n3A_22, %eq3A : i32
      %select_n3A_24 = arith.constant 127 : i32
      %select_n3A_25 = arith.select %eq3A_23, %select_n3A_24, %select_n3A_22 : i32
      %add3A_26 = arith.addi %select_n3A_25, %mul3A_8 : i32
      %select_n3A_27 = arith.constant true
      %select_n3A_28 = arith.constant 0 : i32
      %select_n3A_29 = arith.constant 1 : i32
      %select_n3A_30 = arith.select %select_n3A_27, %select_n3A_29, %select_n3A_28 : i32
      %eq3A_31 = arith.constant 128 : i32
      %eq3A_32 = arith.cmpi eq, %select_n3A_30, %eq3A_31 : i32
      %select_n3A_33 = arith.constant 0 : i32
      %select_n3A_34 = arith.select %eq3A_32, %select_n3A_33, %select_n3A_30 : i32
      %add3A_35 = arith.addi %select_n3A_34, %mul3A_8 : i32
      %add3A_36 = arith.constant 1 : i32
      %add3A_37 = arith.addi %select_n3A_34, %add3A_36 : i32
      %select_n3A_38 = arith.constant true
      %select_n3A_39 = arith.select %select_n3A_38, %add3A_37, %select_n3A_34 : i32
      %eq3A_40 = arith.constant 128 : i32
      %eq3A_41 = arith.cmpi eq, %select_n3A_39, %eq3A_40 : i32
      %select_n3A_42 = arith.constant 0 : i32
      %select_n3A_43 = arith.select %eq3A_41, %select_n3A_42, %select_n3A_39 : i32
      %add3A_44 = arith.addi %select_n3A_43, %mul3A_8 : i32
      "tpu.trace_start"() <{level = 10 : i32, message = "ep_initialize_0"}> : () -> ()
      %rem3A = arith.constant 0 : i32
      %rem3A_45 = arith.constant 2 : i32
      %rem3A_46 = arith.remui %rem3A, %rem3A_45 : i32
      %mul3A_47 = arith.constant 1 : i32
      %mul3A_48 = arith.muli %mul3A_47, %add3A_19 : i32
      %dma_start3A = arith.constant 0 : i32
      %dma_start3A_49 = arith.constant 0 : i32
      %dma_start3A_50 = tpu.memref_slice %run_scoped3A[%rem3A_46, %dma_start3A, %dma_start3A_49] : memref<2x1x80xi32, #tpu.memory_space<vmem>> -> memref<1x1x80xi32, #tpu.memory_space<vmem>>
      %dma_start3A_51 = tpu.memref_squeeze %dma_start3A_50 : memref<1x1x80xi32, #tpu.memory_space<vmem>> -> memref<1x80xi32, #tpu.memory_space<vmem>>
      %dma_start3A_52 = arith.constant 0 : i32
      %dma_start3A_53 = tpu.memref_slice %arg3[%mul3A_48, %dma_start3A_52] : memref<4096x80xi32, #tpu.memory_space<hbm>> -> memref<1x80xi32, #tpu.memory_space<hbm>>
      %dma_start3A_54 = tpu.memref_slice %run_scoped3A_13[%rem3A_46] : memref<2x!tpu.dma_semaphore, #tpu.memory_space<semaphore_mem>> -> memref<1x!tpu.dma_semaphore, #tpu.memory_space<semaphore_mem>>
      %dma_start3A_55 = tpu.memref_squeeze %dma_start3A_54 : memref<1x!tpu.dma_semaphore, #tpu.memory_space<semaphore_mem>> -> memref<!tpu.dma_semaphore, #tpu.memory_space<semaphore_mem>>
      %dma_start3A_56 = arith.constant 0 : i32
      %dma_start3A_57 = arith.constant 0 : i32
      %dma_start3A_58 = tpu.memref_slice %run_scoped3A[%rem3A_46, %dma_start3A_56, %dma_start3A_57] : memref<2x1x80xi32, #tpu.memory_space<vmem>> -> memref<1x1x80xi32, #tpu.memory_space<vmem>>
      %dma_start3A_59 = tpu.memref_squeeze %dma_start3A_58 : memref<1x1x80xi32, #tpu.memory_space<vmem>> -> memref<1x80xi32, #tpu.memory_space<vmem>>
      %dma_start3A_60 = arith.constant 0 : i32
      %dma_start3A_61 = tpu.memref_slice %arg3[%mul3A_48, %dma_start3A_60] : memref<4096x80xi32, #tpu.memory_space<hbm>> -> memref<1x80xi32, #tpu.memory_space<hbm>>
      tpu.enqueue_dma source(%dma_start3A_61 : memref<1x80xi32, #tpu.memory_space<hbm>>) target(%dma_start3A_59 : memref<1x80xi32, #tpu.memory_space<vmem>>) target_semaphore(%dma_start3A_55 : memref<!tpu.dma_semaphore, #tpu.memory_space<semaphore_mem>>)
      %add3A_62 = arith.constant 0 : i32
      %add3A_63 = arith.constant 1 : i32
      %add3A_64 = arith.addi %add3A_62, %add3A_63 : i32
      %select_n3A_65 = arith.constant true
      %select_n3A_66 = arith.constant 0 : i32
      %select_n3A_67 = arith.select %select_n3A_65, %add3A_64, %select_n3A_66 : i32
      %rem3A_68 = arith.constant 0 : i32
      %rem3A_69 = arith.constant 2 : i32
      %rem3A_70 = arith.remui %rem3A_68, %rem3A_69 : i32
      %mul3A_71 = arith.constant 1 : i32
      %mul3A_72 = arith.muli %mul3A_71, %add3A_19 : i32
      %dma_start3A_73 = arith.constant 0 : i32
      %dma_start3A_74 = arith.constant 0 : i32
      %dma_start3A_75 = tpu.memref_slice %run_scoped3A_14[%rem3A_70, %dma_start3A_73, %dma_start3A_74] : memref<2x1x80xi32, #tpu.memory_space<vmem>> -> memref<1x1x80xi32, #tpu.memory_space<vmem>>
      %dma_start3A_76 = tpu.memref_squeeze %dma_start3A_75 : memref<1x1x80xi32, #tpu.memory_space<vmem>> -> memref<1x80xi32, #tpu.memory_space<vmem>>
      %dma_start3A_77 = arith.constant 0 : i32
      %dma_start3A_78 = tpu.memref_slice %arg4[%mul3A_72, %dma_start3A_77] : memref<4096x80xi32, #tpu.memory_space<hbm>> -> memref<1x80xi32, #tpu.memory_space<hbm>>
      %dma_start3A_79 = tpu.memref_slice %run_scoped3A_15[%rem3A_70] : memref<2x!tpu.dma_semaphore, #tpu.memory_space<semaphore_mem>> -> memref<1x!tpu.dma_semaphore, #tpu.memory_space<semaphore_mem>>
      %dma_start3A_80 = tpu.memref_squeeze %dma_start3A_79 : memref<1x!tpu.dma_semaphore, #tpu.memory_space<semaphore_mem>> -> memref<!tpu.dma_semaphore, #tpu.memory_space<semaphore_mem>>
      %dma_start3A_81 = arith.constant 0 : i32
      %dma_start3A_82 = arith.constant 0 : i32
      %dma_start3A_83 = tpu.memref_slice %run_scoped3A_14[%rem3A_70, %dma_start3A_81, %dma_start3A_82] : memref<2x1x80xi32, #tpu.memory_space<vmem>> -> memref<1x1x80xi32, #tpu.memory_space<vmem>>
      %dma_start3A_84 = tpu.memref_squeeze %dma_start3A_83 : memref<1x1x80xi32, #tpu.memory_space<vmem>> -> memref<1x80xi32, #tpu.memory_space<vmem>>
      %dma_start3A_85 = arith.constant 0 : i32
      %dma_start3A_86 = tpu.memref_slice %arg4[%mul3A_72, %dma_start3A_85] : memref<4096x80xi32, #tpu.memory_space<hbm>> -> memref<1x80xi32, #tpu.memory_space<hbm>>
      tpu.enqueue_dma source(%dma_start3A_86 : memref<1x80xi32, #tpu.memory_space<hbm>>) target(%dma_start3A_84 : memref<1x80xi32, #tpu.memory_space<vmem>>) target_semaphore(%dma_start3A_80 : memref<!tpu.dma_semaphore, #tpu.memory_space<semaphore_mem>>)
      %add3A_87 = arith.constant 0 : i32
      %add3A_88 = arith.constant 1 : i32
      %add3A_89 = arith.addi %add3A_87, %add3A_88 : i32
      %select_n3A_90 = arith.constant true
      %select_n3A_91 = arith.constant 0 : i32
      %select_n3A_92 = arith.select %select_n3A_90, %add3A_89, %select_n3A_91 : i32
      %rem3A_93 = arith.constant 0 : i32
      %rem3A_94 = arith.constant 2 : i32
      %rem3A_95 = arith.remui %rem3A_93, %rem3A_94 : i32
      %mul3A_96 = arith.constant 80 : i32
      %mul3A_97 = arith.muli %mul3A_96, %add3A_19 : i32
      %dma_start3A_98 = arith.constant 0 : i32
      %dma_start3A_99 = arith.constant 0 : i32
      %dma_start3A_100 = tpu.memref_slice %run_scoped3A_16[%rem3A_95, %dma_start3A_98, %dma_start3A_99] : memref<2x80x128xf32, #tpu.memory_space<vmem>> -> memref<1x80x128xf32, #tpu.memory_space<vmem>>
      %dma_start3A_101 = tpu.memref_squeeze %dma_start3A_100 : memref<1x80x128xf32, #tpu.memory_space<vmem>> -> memref<80x128xf32, #tpu.memory_space<vmem>>
      %dma_start3A_102 = arith.constant 0 : i32
      %dma_start3A_103 = tpu.memref_slice %arg5[%mul3A_97, %dma_start3A_102] : memref<327680x128xf32, #tpu.memory_space<hbm>> -> memref<80x128xf32, #tpu.memory_space<hbm>>
      %dma_start3A_104 = tpu.memref_slice %run_scoped3A_17[%rem3A_95] : memref<2x!tpu.dma_semaphore, #tpu.memory_space<semaphore_mem>> -> memref<1x!tpu.dma_semaphore, #tpu.memory_space<semaphore_mem>>
      %dma_start3A_105 = tpu.memref_squeeze %dma_start3A_104 : memref<1x!tpu.dma_semaphore, #tpu.memory_space<semaphore_mem>> -> memref<!tpu.dma_semaphore, #tpu.memory_space<semaphore_mem>>
      %dma_start3A_106 = arith.constant 0 : i32
      %dma_start3A_107 = arith.constant 0 : i32
      %dma_start3A_108 = tpu.memref_slice %run_scoped3A_16[%rem3A_95, %dma_start3A_106, %dma_start3A_107] : memref<2x80x128xf32, #tpu.memory_space<vmem>> -> memref<1x80x128xf32, #tpu.memory_space<vmem>>
      %dma_start3A_109 = tpu.memref_squeeze %dma_start3A_108 : memref<1x80x128xf32, #tpu.memory_space<vmem>> -> memref<80x128xf32, #tpu.memory_space<vmem>>
      %dma_start3A_110 = arith.constant 0 : i32
      %dma_start3A_111 = tpu.memref_slice %arg5[%mul3A_97, %dma_start3A_110] : memref<327680x128xf32, #tpu.memory_space<hbm>> -> memref<80x128xf32, #tpu.memory_space<hbm>>
      tpu.enqueue_dma source(%dma_start3A_111 : memref<80x128xf32, #tpu.memory_space<hbm>>) target(%dma_start3A_109 : memref<80x128xf32, #tpu.memory_space<vmem>>) target_semaphore(%dma_start3A_105 : memref<!tpu.dma_semaphore, #tpu.memory_space<semaphore_mem>>)
      %add3A_112 = arith.constant 0 : i32
      %add3A_113 = arith.constant 1 : i32
      %add3A_114 = arith.addi %add3A_112, %add3A_113 : i32
      %select_n3A_115 = arith.constant true
      %select_n3A_116 = arith.constant 0 : i32
      %select_n3A_117 = arith.select %select_n3A_115, %add3A_114, %select_n3A_116 : i32
      "tpu.trace_stop"() : () -> ()
      %scan3A = arith.constant 0 : i32
      %scan3A_118 = arith.constant 0 : i32
      %scan3A_119 = arith.constant 0 : i32
      %scan3A_120 = arith.constant 0 : i32
      %scan3A_121 = arith.constant 0 : i32
      %scan3A_122 = arith.constant 128 : i32
      %scan3A_123 = arith.addi %scan3A_121, %scan3A_122 : i32
      %scan3A_124 = arith.constant 1 : i32
      %scan3A_125:7 = scf.for %scan3A_162 = %scan3A_121 to %scan3A_123 step %scan3A_124 iter_args(%scan3A_163 = %select_n3A_67, %scan3A_164 = %scan3A, %scan3A_165 = %select_n3A_92, %scan3A_166 = %scan3A_118, %scan3A_167 = %select_n3A_117, %scan3A_168 = %scan3A_119, %scan3A_169 = %scan3A_120) -> (i32, i32, i32, i32, i32, i32, i32)  : i32 {
        %eq3A_170 = arith.constant 0 : i32
        %eq3A_171 = arith.cmpi eq, %scan3A_162, %eq3A_170 : i32
        %eq3A_172 = arith.constant 127 : i32
        %eq3A_173 = arith.cmpi eq, %scan3A_162, %eq3A_172 : i32
        %add3A_174 = arith.addi %scan3A_169, %mul3A_8 : i32
        %sub3A_175 = arith.constant 1 : i32
        %sub3A_176 = arith.subi %scan3A_169, %sub3A_175 : i32
        %select_n3A_177 = arith.constant true
        %select_n3A_178 = arith.select %select_n3A_177, %sub3A_176, %scan3A_169 : i32
        %eq3A_179 = arith.constant -1 : i32
        %eq3A_180 = arith.cmpi eq, %select_n3A_178, %eq3A_179 : i32
        %select_n3A_181 = arith.constant 127 : i32
        %select_n3A_182 = arith.select %eq3A_180, %select_n3A_181, %select_n3A_178 : i32
        %add3A_183 = arith.addi %select_n3A_182, %mul3A_8 : i32
        %add3A_184 = arith.constant 1 : i32
        %add3A_185 = arith.addi %scan3A_169, %add3A_184 : i32
        %select_n3A_186 = arith.constant true
        %select_n3A_187 = arith.select %select_n3A_186, %add3A_185, %scan3A_169 : i32
        %eq3A_188 = arith.constant 128 : i32
        %eq3A_189 = arith.cmpi eq, %select_n3A_187, %eq3A_188 : i32
        %select_n3A_190 = arith.constant 0 : i32
        %select_n3A_191 = arith.select %eq3A_189, %select_n3A_190, %select_n3A_187 : i32
        %add3A_192 = arith.addi %select_n3A_191, %mul3A_8 : i32
        %add3A_193 = arith.constant 1 : i32
        %add3A_194 = arith.addi %select_n3A_191, %add3A_193 : i32
        %select_n3A_195 = arith.constant true
        %select_n3A_196 = arith.select %select_n3A_195, %add3A_194, %select_n3A_191 : i32
        %eq3A_197 = arith.constant 128 : i32
        %eq3A_198 = arith.cmpi eq, %select_n3A_196, %eq3A_197 : i32
        %select_n3A_199 = arith.constant 0 : i32
        %select_n3A_200 = arith.select %eq3A_198, %select_n3A_199, %select_n3A_196 : i32
        %add3A_201 = arith.addi %select_n3A_200, %mul3A_8 : i32
        %ne3A = arith.cmpi ne, %add3A_174, %add3A_192 : i32
        %or3A = arith.constant false
        %or3A_202 = arith.ori %or3A, %ne3A : i1
        %or3A_203 = arith.constant false
        %or3A_204 = arith.ori %or3A_202, %or3A_203 : i1
        %ge3A = arith.constant 127 : i32
        %ge3A_205 = arith.cmpi sge, %scan3A_162, %ge3A : i32
        %not3A = arith.constant true
        %not3A_206 = arith.xori %ge3A_205, %not3A : i1
        %and3A = arith.andi %or3A_204, %not3A_206 : i1
        %convert_element_type3A = arith.extui %and3A : i1 to i32
        %cond3A = arith.constant 0 : i32
        %cond3A_207 = arith.cmpi ne, %convert_element_type3A, %cond3A : i32
        scf.if %cond3A_207 {
          "tpu.trace_start"() <{level = 10 : i32, message = "ep_copy_in"}> : () -> ()
          %rem3A_392 = arith.constant 2 : i32
          %rem3A_393 = arith.remui %scan3A_163, %rem3A_392 : i32
          %mul3A_394 = arith.constant 1 : i32
          %mul3A_395 = arith.muli %mul3A_394, %add3A_192 : i32
          %dma_start3A_396 = arith.constant 0 : i32
          %dma_start3A_397 = arith.constant 0 : i32
          %dma_start3A_398 = tpu.memref_slice %run_scoped3A[%rem3A_393, %dma_start3A_396, %dma_start3A_397] : memref<2x1x80xi32, #tpu.memory_space<vmem>> -> memref<1x1x80xi32, #tpu.memory_space<vmem>>
          %dma_start3A_399 = tpu.memref_squeeze %dma_start3A_398 : memref<1x1x80xi32, #tpu.memory_space<vmem>> -> memref<1x80xi32, #tpu.memory_space<vmem>>
          %dma_start3A_400 = arith.constant 0 : i32
          %dma_start3A_401 = tpu.memref_slice %arg3[%mul3A_395, %dma_start3A_400] : memref<4096x80xi32, #tpu.memory_space<hbm>> -> memref<1x80xi32, #tpu.memory_space<hbm>>
          %dma_start3A_402 = tpu.memref_slice %run_scoped3A_13[%rem3A_393] : memref<2x!tpu.dma_semaphore, #tpu.memory_space<semaphore_mem>> -> memref<1x!tpu.dma_semaphore, #tpu.memory_space<semaphore_mem>>
          %dma_start3A_403 = tpu.memref_squeeze %dma_start3A_402 : memref<1x!tpu.dma_semaphore, #tpu.memory_space<semaphore_mem>> -> memref<!tpu.dma_semaphore, #tpu.memory_space<semaphore_mem>>
          %dma_start3A_404 = arith.constant 0 : i32
          %dma_start3A_405 = arith.constant 0 : i32
          %dma_start3A_406 = tpu.memref_slice %run_scoped3A[%rem3A_393, %dma_start3A_404, %dma_start3A_405] : memref<2x1x80xi32, #tpu.memory_space<vmem>> -> memref<1x1x80xi32, #tpu.memory_space<vmem>>
          %dma_start3A_407 = tpu.memref_squeeze %dma_start3A_406 : memref<1x1x80xi32, #tpu.memory_space<vmem>> -> memref<1x80xi32, #tpu.memory_space<vmem>>
          %dma_start3A_408 = arith.constant 0 : i32
          %dma_start3A_409 = tpu.memref_slice %arg3[%mul3A_395, %dma_start3A_408] : memref<4096x80xi32, #tpu.memory_space<hbm>> -> memref<1x80xi32, #tpu.memory_space<hbm>>
          tpu.enqueue_dma source(%dma_start3A_409 : memref<1x80xi32, #tpu.memory_space<hbm>>) target(%dma_start3A_407 : memref<1x80xi32, #tpu.memory_space<vmem>>) target_semaphore(%dma_start3A_403 : memref<!tpu.dma_semaphore, #tpu.memory_space<semaphore_mem>>)
          "tpu.trace_stop"() : () -> ()
        } else {
        }
        %and3A_208 = arith.constant true
        %and3A_209 = arith.andi %and3A, %and3A_208 : i1
        %add3A_210 = arith.constant 1 : i32
        %add3A_211 = arith.addi %scan3A_163, %add3A_210 : i32
        %select_n3A_212 = arith.select %and3A_209, %add3A_211, %scan3A_163 : i32
        %ne3A_213 = arith.cmpi ne, %add3A_174, %add3A_192 : i32
        %or3A_214 = arith.constant false
        %or3A_215 = arith.ori %or3A_214, %ne3A_213 : i1
        %or3A_216 = arith.constant false
        %or3A_217 = arith.ori %or3A_215, %or3A_216 : i1
        %ge3A_218 = arith.constant 127 : i32
        %ge3A_219 = arith.cmpi sge, %scan3A_162, %ge3A_218 : i32
        %not3A_220 = arith.constant true
        %not3A_221 = arith.xori %ge3A_219, %not3A_220 : i1
        %and3A_222 = arith.andi %or3A_217, %not3A_221 : i1
        %convert_element_type3A_223 = arith.extui %and3A_222 : i1 to i32
        %cond3A_224 = arith.constant 0 : i32
        %cond3A_225 = arith.cmpi ne, %convert_element_type3A_223, %cond3A_224 : i32
        scf.if %cond3A_225 {
          "tpu.trace_start"() <{level = 10 : i32, message = "ep_copy_in"}> : () -> ()
          %rem3A_392 = arith.constant 2 : i32
          %rem3A_393 = arith.remui %scan3A_165, %rem3A_392 : i32
          %mul3A_394 = arith.constant 1 : i32
          %mul3A_395 = arith.muli %mul3A_394, %add3A_192 : i32
          %dma_start3A_396 = arith.constant 0 : i32
          %dma_start3A_397 = arith.constant 0 : i32
          %dma_start3A_398 = tpu.memref_slice %run_scoped3A_14[%rem3A_393, %dma_start3A_396, %dma_start3A_397] : memref<2x1x80xi32, #tpu.memory_space<vmem>> -> memref<1x1x80xi32, #tpu.memory_space<vmem>>
          %dma_start3A_399 = tpu.memref_squeeze %dma_start3A_398 : memref<1x1x80xi32, #tpu.memory_space<vmem>> -> memref<1x80xi32, #tpu.memory_space<vmem>>
          %dma_start3A_400 = arith.constant 0 : i32
          %dma_start3A_401 = tpu.memref_slice %arg4[%mul3A_395, %dma_start3A_400] : memref<4096x80xi32, #tpu.memory_space<hbm>> -> memref<1x80xi32, #tpu.memory_space<hbm>>
          %dma_start3A_402 = tpu.memref_slice %run_scoped3A_15[%rem3A_393] : memref<2x!tpu.dma_semaphore, #tpu.memory_space<semaphore_mem>> -> memref<1x!tpu.dma_semaphore, #tpu.memory_space<semaphore_mem>>
          %dma_start3A_403 = tpu.memref_squeeze %dma_start3A_402 : memref<1x!tpu.dma_semaphore, #tpu.memory_space<semaphore_mem>> -> memref<!tpu.dma_semaphore, #tpu.memory_space<semaphore_mem>>
          %dma_start3A_404 = arith.constant 0 : i32
          %dma_start3A_405 = arith.constant 0 : i32
          %dma_start3A_406 = tpu.memref_slice %run_scoped3A_14[%rem3A_393, %dma_start3A_404, %dma_start3A_405] : memref<2x1x80xi32, #tpu.memory_space<vmem>> -> memref<1x1x80xi32, #tpu.memory_space<vmem>>
          %dma_start3A_407 = tpu.memref_squeeze %dma_start3A_406 : memref<1x1x80xi32, #tpu.memory_space<vmem>> -> memref<1x80xi32, #tpu.memory_space<vmem>>
          %dma_start3A_408 = arith.constant 0 : i32
          %dma_start3A_409 = tpu.memref_slice %arg4[%mul3A_395, %dma_start3A_408] : memref<4096x80xi32, #tpu.memory_space<hbm>> -> memref<1x80xi32, #tpu.memory_space<hbm>>
          tpu.enqueue_dma source(%dma_start3A_409 : memref<1x80xi32, #tpu.memory_space<hbm>>) target(%dma_start3A_407 : memref<1x80xi32, #tpu.memory_space<vmem>>) target_semaphore(%dma_start3A_403 : memref<!tpu.dma_semaphore, #tpu.memory_space<semaphore_mem>>)
          "tpu.trace_stop"() : () -> ()
        } else {
        }
        %and3A_226 = arith.constant true
        %and3A_227 = arith.andi %and3A_222, %and3A_226 : i1
        %add3A_228 = arith.constant 1 : i32
        %add3A_229 = arith.addi %scan3A_165, %add3A_228 : i32
        %select_n3A_230 = arith.select %and3A_227, %add3A_229, %scan3A_165 : i32
        %ne3A_231 = arith.cmpi ne, %add3A_174, %add3A_192 : i32
        %or3A_232 = arith.constant false
        %or3A_233 = arith.ori %or3A_232, %ne3A_231 : i1
        %or3A_234 = arith.constant false
        %or3A_235 = arith.ori %or3A_233, %or3A_234 : i1
        %ge3A_236 = arith.constant 127 : i32
        %ge3A_237 = arith.cmpi sge, %scan3A_162, %ge3A_236 : i32
        %not3A_238 = arith.constant true
        %not3A_239 = arith.xori %ge3A_237, %not3A_238 : i1
        %and3A_240 = arith.andi %or3A_235, %not3A_239 : i1
        %convert_element_type3A_241 = arith.extui %and3A_240 : i1 to i32
        %cond3A_242 = arith.constant 0 : i32
        %cond3A_243 = arith.cmpi ne, %convert_element_type3A_241, %cond3A_242 : i32
        scf.if %cond3A_243 {
          "tpu.trace_start"() <{level = 10 : i32, message = "ep_copy_in"}> : () -> ()
          %rem3A_392 = arith.constant 2 : i32
          %rem3A_393 = arith.remui %scan3A_167, %rem3A_392 : i32
          %mul3A_394 = arith.constant 80 : i32
          %mul3A_395 = arith.muli %mul3A_394, %add3A_192 : i32
          %dma_start3A_396 = arith.constant 0 : i32
          %dma_start3A_397 = arith.constant 0 : i32
          %dma_start3A_398 = tpu.memref_slice %run_scoped3A_16[%rem3A_393, %dma_start3A_396, %dma_start3A_397] : memref<2x80x128xf32, #tpu.memory_space<vmem>> -> memref<1x80x128xf32, #tpu.memory_space<vmem>>
          %dma_start3A_399 = tpu.memref_squeeze %dma_start3A_398 : memref<1x80x128xf32, #tpu.memory_space<vmem>> -> memref<80x128xf32, #tpu.memory_space<vmem>>
          %dma_start3A_400 = arith.constant 0 : i32
          %dma_start3A_401 = tpu.memref_slice %arg5[%mul3A_395, %dma_start3A_400] : memref<327680x128xf32, #tpu.memory_space<hbm>> -> memref<80x128xf32, #tpu.memory_space<hbm>>
          %dma_start3A_402 = tpu.memref_slice %run_scoped3A_17[%rem3A_393] : memref<2x!tpu.dma_semaphore, #tpu.memory_space<semaphore_mem>> -> memref<1x!tpu.dma_semaphore, #tpu.memory_space<semaphore_mem>>
          %dma_start3A_403 = tpu.memref_squeeze %dma_start3A_402 : memref<1x!tpu.dma_semaphore, #tpu.memory_space<semaphore_mem>> -> memref<!tpu.dma_semaphore, #tpu.memory_space<semaphore_mem>>
          %dma_start3A_404 = arith.constant 0 : i32
          %dma_start3A_405 = arith.constant 0 : i32
          %dma_start3A_406 = tpu.memref_slice %run_scoped3A_16[%rem3A_393, %dma_start3A_404, %dma_start3A_405] : memref<2x80x128xf32, #tpu.memory_space<vmem>> -> memref<1x80x128xf32, #tpu.memory_space<vmem>>
          %dma_start3A_407 = tpu.memref_squeeze %dma_start3A_406 : memref<1x80x128xf32, #tpu.memory_space<vmem>> -> memref<80x128xf32, #tpu.memory_space<vmem>>
          %dma_start3A_408 = arith.constant 0 : i32
          %dma_start3A_409 = tpu.memref_slice %arg5[%mul3A_395, %dma_start3A_408] : memref<327680x128xf32, #tpu.memory_space<hbm>> -> memref<80x128xf32, #tpu.memory_space<hbm>>
          tpu.enqueue_dma source(%dma_start3A_409 : memref<80x128xf32, #tpu.memory_space<hbm>>) target(%dma_start3A_407 : memref<80x128xf32, #tpu.memory_space<vmem>>) target_semaphore(%dma_start3A_403 : memref<!tpu.dma_semaphore, #tpu.memory_space<semaphore_mem>>)
          "tpu.trace_stop"() : () -> ()
        } else {
        }
        %and3A_244 = arith.constant true
        %and3A_245 = arith.andi %and3A_240, %and3A_244 : i1
        %add3A_246 = arith.constant 1 : i32
        %add3A_247 = arith.addi %scan3A_167, %add3A_246 : i32
        %select_n3A_248 = arith.select %and3A_245, %add3A_247, %scan3A_167 : i32
        %ne3A_249 = arith.cmpi ne, %add3A_174, %add3A_183 : i32
        %or3A_250 = arith.constant false
        %or3A_251 = arith.ori %or3A_250, %ne3A_249 : i1
        %or3A_252 = arith.constant false
        %or3A_253 = arith.ori %or3A_251, %or3A_252 : i1
        %or3A_254 = arith.ori %or3A_253, %eq3A_171 : i1
        %convert_element_type3A_255 = arith.extui %or3A_254 : i1 to i32
        %cond3A_256 = arith.constant 0 : i32
        %cond3A_257 = arith.cmpi ne, %convert_element_type3A_255, %cond3A_256 : i32
        scf.if %cond3A_257 {
          "tpu.trace_start"() <{level = 10 : i32, message = "ep_wait_in"}> : () -> ()
          %mul3A_392 = arith.constant 1 : i32
          %mul3A_393 = arith.muli %mul3A_392, %add3A_174 : i32
          %rem3A_394 = arith.constant 2 : i32
          %rem3A_395 = arith.remui %scan3A_164, %rem3A_394 : i32
          %dma_wait3A = arith.constant 0 : i32
          %dma_wait3A_396 = arith.constant 0 : i32
          %dma_wait3A_397 = tpu.memref_slice %run_scoped3A[%rem3A_395, %dma_wait3A, %dma_wait3A_396] : memref<2x1x80xi32, #tpu.memory_space<vmem>> -> memref<1x1x80xi32, #tpu.memory_space<vmem>>
          %dma_wait3A_398 = tpu.memref_squeeze %dma_wait3A_397 : memref<1x1x80xi32, #tpu.memory_space<vmem>> -> memref<1x80xi32, #tpu.memory_space<vmem>>
          %dma_wait3A_399 = arith.constant 0 : i32
          %dma_wait3A_400 = tpu.memref_slice %arg3[%mul3A_393, %dma_wait3A_399] : memref<4096x80xi32, #tpu.memory_space<hbm>> -> memref<1x80xi32, #tpu.memory_space<hbm>>
          %dma_wait3A_401 = tpu.memref_slice %run_scoped3A_13[%rem3A_395] : memref<2x!tpu.dma_semaphore, #tpu.memory_space<semaphore_mem>> -> memref<1x!tpu.dma_semaphore, #tpu.memory_space<semaphore_mem>>
          %dma_wait3A_402 = tpu.memref_squeeze %dma_wait3A_401 : memref<1x!tpu.dma_semaphore, #tpu.memory_space<semaphore_mem>> -> memref<!tpu.dma_semaphore, #tpu.memory_space<semaphore_mem>>
          %dma_wait3A_403 = arith.constant 0 : i32
          %dma_wait3A_404 = arith.constant 0 : i32
          %dma_wait3A_405 = tpu.memref_slice %run_scoped3A[%rem3A_395, %dma_wait3A_403, %dma_wait3A_404] : memref<2x1x80xi32, #tpu.memory_space<vmem>> -> memref<1x1x80xi32, #tpu.memory_space<vmem>>
          %dma_wait3A_406 = tpu.memref_squeeze %dma_wait3A_405 : memref<1x1x80xi32, #tpu.memory_space<vmem>> -> memref<1x80xi32, #tpu.memory_space<vmem>>
          %dma_wait3A_407 = arith.constant 0 : i32
          %dma_wait3A_408 = tpu.memref_slice %arg3[%mul3A_393, %dma_wait3A_407] : memref<4096x80xi32, #tpu.memory_space<hbm>> -> memref<1x80xi32, #tpu.memory_space<hbm>>
          tpu.wait_dma2 semaphore(%dma_wait3A_402 : memref<!tpu.dma_semaphore, #tpu.memory_space<semaphore_mem>>) src(%dma_wait3A_408 : memref<1x80xi32, #tpu.memory_space<hbm>>) dst(%dma_wait3A_406 : memref<1x80xi32, #tpu.memory_space<vmem>>)
          "tpu.trace_stop"() : () -> ()
        } else {
        }
        %ne3A_258 = arith.cmpi ne, %add3A_174, %add3A_183 : i32
        %or3A_259 = arith.constant false
        %or3A_260 = arith.ori %or3A_259, %ne3A_258 : i1
        %or3A_261 = arith.constant false
        %or3A_262 = arith.ori %or3A_260, %or3A_261 : i1
        %or3A_263 = arith.ori %or3A_262, %eq3A_171 : i1
        %convert_element_type3A_264 = arith.extui %or3A_263 : i1 to i32
        %cond3A_265 = arith.constant 0 : i32
        %cond3A_266 = arith.cmpi ne, %convert_element_type3A_264, %cond3A_265 : i32
        scf.if %cond3A_266 {
          "tpu.trace_start"() <{level = 10 : i32, message = "ep_wait_in"}> : () -> ()
          %mul3A_392 = arith.constant 1 : i32
          %mul3A_393 = arith.muli %mul3A_392, %add3A_174 : i32
          %rem3A_394 = arith.constant 2 : i32
          %rem3A_395 = arith.remui %scan3A_166, %rem3A_394 : i32
          %dma_wait3A = arith.constant 0 : i32
          %dma_wait3A_396 = arith.constant 0 : i32
          %dma_wait3A_397 = tpu.memref_slice %run_scoped3A_14[%rem3A_395, %dma_wait3A, %dma_wait3A_396] : memref<2x1x80xi32, #tpu.memory_space<vmem>> -> memref<1x1x80xi32, #tpu.memory_space<vmem>>
          %dma_wait3A_398 = tpu.memref_squeeze %dma_wait3A_397 : memref<1x1x80xi32, #tpu.memory_space<vmem>> -> memref<1x80xi32, #tpu.memory_space<vmem>>
          %dma_wait3A_399 = arith.constant 0 : i32
          %dma_wait3A_400 = tpu.memref_slice %arg4[%mul3A_393, %dma_wait3A_399] : memref<4096x80xi32, #tpu.memory_space<hbm>> -> memref<1x80xi32, #tpu.memory_space<hbm>>
          %dma_wait3A_401 = tpu.memref_slice %run_scoped3A_15[%rem3A_395] : memref<2x!tpu.dma_semaphore, #tpu.memory_space<semaphore_mem>> -> memref<1x!tpu.dma_semaphore, #tpu.memory_space<semaphore_mem>>
          %dma_wait3A_402 = tpu.memref_squeeze %dma_wait3A_401 : memref<1x!tpu.dma_semaphore, #tpu.memory_space<semaphore_mem>> -> memref<!tpu.dma_semaphore, #tpu.memory_space<semaphore_mem>>
          %dma_wait3A_403 = arith.constant 0 : i32
          %dma_wait3A_404 = arith.constant 0 : i32
          %dma_wait3A_405 = tpu.memref_slice %run_scoped3A_14[%rem3A_395, %dma_wait3A_403, %dma_wait3A_404] : memref<2x1x80xi32, #tpu.memory_space<vmem>> -> memref<1x1x80xi32, #tpu.memory_space<vmem>>
          %dma_wait3A_406 = tpu.memref_squeeze %dma_wait3A_405 : memref<1x1x80xi32, #tpu.memory_space<vmem>> -> memref<1x80xi32, #tpu.memory_space<vmem>>
          %dma_wait3A_407 = arith.constant 0 : i32
          %dma_wait3A_408 = tpu.memref_slice %arg4[%mul3A_393, %dma_wait3A_407] : memref<4096x80xi32, #tpu.memory_space<hbm>> -> memref<1x80xi32, #tpu.memory_space<hbm>>
          tpu.wait_dma2 semaphore(%dma_wait3A_402 : memref<!tpu.dma_semaphore, #tpu.memory_space<semaphore_mem>>) src(%dma_wait3A_408 : memref<1x80xi32, #tpu.memory_space<hbm>>) dst(%dma_wait3A_406 : memref<1x80xi32, #tpu.memory_space<vmem>>)
          "tpu.trace_stop"() : () -> ()
        } else {
        }
        %ne3A_267 = arith.cmpi ne, %add3A_174, %add3A_183 : i32
        %or3A_268 = arith.constant false
        %or3A_269 = arith.ori %or3A_268, %ne3A_267 : i1
        %or3A_270 = arith.constant false
        %or3A_271 = arith.ori %or3A_269, %or3A_270 : i1
        %or3A_272 = arith.ori %or3A_271, %eq3A_171 : i1
        %convert_element_type3A_273 = arith.extui %or3A_272 : i1 to i32
        %cond3A_274 = arith.constant 0 : i32
        %cond3A_275 = arith.cmpi ne, %convert_element_type3A_273, %cond3A_274 : i32
        scf.if %cond3A_275 {
          "tpu.trace_start"() <{level = 10 : i32, message = "ep_wait_in"}> : () -> ()
          %mul3A_392 = arith.constant 80 : i32
          %mul3A_393 = arith.muli %mul3A_392, %add3A_174 : i32
          %rem3A_394 = arith.constant 2 : i32
          %rem3A_395 = arith.remui %scan3A_168, %rem3A_394 : i32
          %dma_wait3A = arith.constant 0 : i32
          %dma_wait3A_396 = arith.constant 0 : i32
          %dma_wait3A_397 = tpu.memref_slice %run_scoped3A_16[%rem3A_395, %dma_wait3A, %dma_wait3A_396] : memref<2x80x128xf32, #tpu.memory_space<vmem>> -> memref<1x80x128xf32, #tpu.memory_space<vmem>>
          %dma_wait3A_398 = tpu.memref_squeeze %dma_wait3A_397 : memref<1x80x128xf32, #tpu.memory_space<vmem>> -> memref<80x128xf32, #tpu.memory_space<vmem>>
          %dma_wait3A_399 = arith.constant 0 : i32
          %dma_wait3A_400 = tpu.memref_slice %arg5[%mul3A_393, %dma_wait3A_399] : memref<327680x128xf32, #tpu.memory_space<hbm>> -> memref<80x128xf32, #tpu.memory_space<hbm>>
          %dma_wait3A_401 = tpu.memref_slice %run_scoped3A_17[%rem3A_395] : memref<2x!tpu.dma_semaphore, #tpu.memory_space<semaphore_mem>> -> memref<1x!tpu.dma_semaphore, #tpu.memory_space<semaphore_mem>>
          %dma_wait3A_402 = tpu.memref_squeeze %dma_wait3A_401 : memref<1x!tpu.dma_semaphore, #tpu.memory_space<semaphore_mem>> -> memref<!tpu.dma_semaphore, #tpu.memory_space<semaphore_mem>>
          %dma_wait3A_403 = arith.constant 0 : i32
          %dma_wait3A_404 = arith.constant 0 : i32
          %dma_wait3A_405 = tpu.memref_slice %run_scoped3A_16[%rem3A_395, %dma_wait3A_403, %dma_wait3A_404] : memref<2x80x128xf32, #tpu.memory_space<vmem>> -> memref<1x80x128xf32, #tpu.memory_space<vmem>>
          %dma_wait3A_406 = tpu.memref_squeeze %dma_wait3A_405 : memref<1x80x128xf32, #tpu.memory_space<vmem>> -> memref<80x128xf32, #tpu.memory_space<vmem>>
          %dma_wait3A_407 = arith.constant 0 : i32
          %dma_wait3A_408 = tpu.memref_slice %arg5[%mul3A_393, %dma_wait3A_407] : memref<327680x128xf32, #tpu.memory_space<hbm>> -> memref<80x128xf32, #tpu.memory_space<hbm>>
          tpu.wait_dma2 semaphore(%dma_wait3A_402 : memref<!tpu.dma_semaphore, #tpu.memory_space<semaphore_mem>>) src(%dma_wait3A_408 : memref<80x128xf32, #tpu.memory_space<hbm>>) dst(%dma_wait3A_406 : memref<80x128xf32, #tpu.memory_space<vmem>>)
          "tpu.trace_stop"() : () -> ()
        } else {
        }
        %rem3A_276 = arith.constant 2 : i32
        %rem3A_277 = arith.remui %scan3A_164, %rem3A_276 : i32
        %rem3A_278 = arith.constant 2 : i32
        %rem3A_279 = arith.remui %scan3A_166, %rem3A_278 : i32
        %rem3A_280 = arith.constant 2 : i32
        %rem3A_281 = arith.remui %scan3A_168, %rem3A_280 : i32
        %run_scoped3A_282 = arith.constant 0 : i32
        "tpu.trace_start"() <{level = 10 : i32, message = "ep_run_kernel"}> : () -> ()
        "tpu.region"() ({
          %run_scoped3A_392 = tpu.sem_alloc : memref<!tpu.dma_semaphore, #tpu.memory_space<semaphore_mem>>
          %dma_start3A_393 = arith.constant 0 : i32
          %dma_start3A_394 = arith.constant 0 : i32
          %dma_start3A_395 = tpu.memref_slice %run_scoped3A[%rem3A_277, %dma_start3A_393, %dma_start3A_394] : memref<2x1x80xi32, #tpu.memory_space<vmem>> -> memref<1x1x80xi32, #tpu.memory_space<vmem>>
          %dma_start3A_396 = tpu.memref_squeeze %dma_start3A_395 : memref<1x1x80xi32, #tpu.memory_space<vmem>> -> memref<1x80xi32, #tpu.memory_space<vmem>>
          %dma_start3A_397 = arith.constant 0 : i32
          %dma_start3A_398 = tpu.memref_slice %dma_start3A_396[%run_scoped3A_282, %dma_start3A_397] : memref<1x80xi32, #tpu.memory_space<vmem>> -> memref<1x80xi32, #tpu.memory_space<vmem>>
          %dma_start3A_399 = tpu.memref_squeeze %dma_start3A_398 : memref<1x80xi32, #tpu.memory_space<vmem>> -> memref<80xi32, #tpu.memory_space<vmem>>
          %dma_start3A_400 = arith.constant 0 : i32
          %dma_start3A_401 = arith.constant 0 : i32
          %dma_start3A_402 = tpu.memref_slice %arg2[%dma_start3A_400, %dma_start3A_401] : memref<10112x128xf32, #tpu.memory_space<hbm>> -> memref<10112x128xf32, #tpu.memory_space<hbm>>
          tpu.enqueue_indirect_dma source(%dma_start3A_402 : memref<10112x128xf32, #tpu.memory_space<hbm>>) target(%arg8 : memref<80x128xf32, #tpu.memory_space<vmem>>) offsets(%dma_start3A_399 : memref<80xi32, #tpu.memory_space<vmem>>) semaphore(%run_scoped3A_392 : memref<!tpu.dma_semaphore, #tpu.memory_space<semaphore_mem>>)
          %dma_wait3A = arith.constant 0 : i32
          %dma_wait3A_403 = arith.constant 0 : i32
          %dma_wait3A_404 = tpu.memref_slice %run_scoped3A[%rem3A_277, %dma_wait3A, %dma_wait3A_403] : memref<2x1x80xi32, #tpu.memory_space<vmem>> -> memref<1x1x80xi32, #tpu.memory_space<vmem>>
          %dma_wait3A_405 = tpu.memref_squeeze %dma_wait3A_404 : memref<1x1x80xi32, #tpu.memory_space<vmem>> -> memref<1x80xi32, #tpu.memory_space<vmem>>
          %dma_wait3A_406 = arith.constant 0 : i32
          %dma_wait3A_407 = tpu.memref_slice %dma_wait3A_405[%run_scoped3A_282, %dma_wait3A_406] : memref<1x80xi32, #tpu.memory_space<vmem>> -> memref<1x80xi32, #tpu.memory_space<vmem>>
          %dma_wait3A_408 = tpu.memref_squeeze %dma_wait3A_407 : memref<1x80xi32, #tpu.memory_space<vmem>> -> memref<80xi32, #tpu.memory_space<vmem>>
          %dma_wait3A_409 = arith.constant 0 : i32
          %dma_wait3A_410 = arith.constant 0 : i32
          %dma_wait3A_411 = tpu.memref_slice %arg2[%dma_wait3A_409, %dma_wait3A_410] : memref<10112x128xf32, #tpu.memory_space<hbm>> -> memref<10112x128xf32, #tpu.memory_space<hbm>>
          tpu.wait_indirect_dma semaphore(%run_scoped3A_392 : memref<!tpu.dma_semaphore, #tpu.memory_space<semaphore_mem>>) src(%dma_wait3A_411 : memref<10112x128xf32, #tpu.memory_space<hbm>>) dst(%arg8 : memref<80x128xf32, #tpu.memory_space<vmem>>)
          tpu.yield
        }) : () -> ()
        %run_scoped3A_283 = arith.constant 0 : i32
        "tpu.region"() ({
          %run_scoped3A_392 = tpu.sem_alloc : memref<!tpu.dma_semaphore, #tpu.memory_space<semaphore_mem>>
          %dma_start3A_393 = arith.constant 0 : i32
          %dma_start3A_394 = arith.constant 0 : i32
          %dma_start3A_395 = tpu.memref_slice %run_scoped3A_14[%rem3A_279, %dma_start3A_393, %dma_start3A_394] : memref<2x1x80xi32, #tpu.memory_space<vmem>> -> memref<1x1x80xi32, #tpu.memory_space<vmem>>
          %dma_start3A_396 = tpu.memref_squeeze %dma_start3A_395 : memref<1x1x80xi32, #tpu.memory_space<vmem>> -> memref<1x80xi32, #tpu.memory_space<vmem>>
          %dma_start3A_397 = arith.constant 0 : i32
          %dma_start3A_398 = tpu.memref_slice %dma_start3A_396[%run_scoped3A_283, %dma_start3A_397] : memref<1x80xi32, #tpu.memory_space<vmem>> -> memref<1x80xi32, #tpu.memory_space<vmem>>
          %dma_start3A_399 = tpu.memref_squeeze %dma_start3A_398 : memref<1x80xi32, #tpu.memory_space<vmem>> -> memref<80xi32, #tpu.memory_space<vmem>>
          %dma_start3A_400 = arith.constant 0 : i32
          %dma_start3A_401 = arith.constant 0 : i32
          %dma_start3A_402 = tpu.memref_slice %arg9[%dma_start3A_400, %dma_start3A_401] : memref<10112x128xf32, #tpu.memory_space<vmem_shared>> -> memref<10112x128xf32, #tpu.memory_space<vmem_shared>>
          tpu.enqueue_indirect_dma source(%arg8 : memref<80x128xf32, #tpu.memory_space<vmem>>) target(%dma_start3A_402 : memref<10112x128xf32, #tpu.memory_space<vmem_shared>>) offsets(%dma_start3A_399 : memref<80xi32, #tpu.memory_space<vmem>>) semaphore(%run_scoped3A_392 : memref<!tpu.dma_semaphore, #tpu.memory_space<semaphore_mem>>) {add = true}
          %dma_wait3A = arith.constant 0 : i32
          %dma_wait3A_403 = arith.constant 0 : i32
          %dma_wait3A_404 = tpu.memref_slice %run_scoped3A_14[%rem3A_279, %dma_wait3A, %dma_wait3A_403] : memref<2x1x80xi32, #tpu.memory_space<vmem>> -> memref<1x1x80xi32, #tpu.memory_space<vmem>>
          %dma_wait3A_405 = tpu.memref_squeeze %dma_wait3A_404 : memref<1x1x80xi32, #tpu.memory_space<vmem>> -> memref<1x80xi32, #tpu.memory_space<vmem>>
          %dma_wait3A_406 = arith.constant 0 : i32
          %dma_wait3A_407 = tpu.memref_slice %dma_wait3A_405[%run_scoped3A_283, %dma_wait3A_406] : memref<1x80xi32, #tpu.memory_space<vmem>> -> memref<1x80xi32, #tpu.memory_space<vmem>>
          %dma_wait3A_408 = tpu.memref_squeeze %dma_wait3A_407 : memref<1x80xi32, #tpu.memory_space<vmem>> -> memref<80xi32, #tpu.memory_space<vmem>>
          %dma_wait3A_409 = arith.constant 0 : i32
          %dma_wait3A_410 = arith.constant 0 : i32
          %dma_wait3A_411 = tpu.memref_slice %arg9[%dma_wait3A_409, %dma_wait3A_410] : memref<10112x128xf32, #tpu.memory_space<vmem_shared>> -> memref<10112x128xf32, #tpu.memory_space<vmem_shared>>
          tpu.wait_indirect_dma semaphore(%run_scoped3A_392 : memref<!tpu.dma_semaphore, #tpu.memory_space<semaphore_mem>>) src(%arg8 : memref<80x128xf32, #tpu.memory_space<vmem>>) dst(%dma_wait3A_411 : memref<10112x128xf32, #tpu.memory_space<vmem_shared>>)
          tpu.yield
        }) : () -> ()
        %run_scoped3A_284 = arith.constant 0 : i32
        "tpu.region"() ({
          %run_scoped3A_392 = tpu.sem_alloc : memref<!tpu.dma_semaphore, #tpu.memory_space<semaphore_mem>>
          %dma_start3A_393 = arith.constant 0 : i32
          %dma_start3A_394 = arith.constant 0 : i32
          %dma_start3A_395 = tpu.memref_slice %run_scoped3A_16[%rem3A_281, %dma_start3A_393, %dma_start3A_394] : memref<2x80x128xf32, #tpu.memory_space<vmem>> -> memref<1x80x128xf32, #tpu.memory_space<vmem>>
          %dma_start3A_396 = tpu.memref_squeeze %dma_start3A_395 : memref<1x80x128xf32, #tpu.memory_space<vmem>> -> memref<80x128xf32, #tpu.memory_space<vmem>>
          %dma_start3A_397 = arith.constant 0 : i32
          %dma_start3A_398 = arith.constant 0 : i32
          %dma_start3A_399 = tpu.memref_slice %run_scoped3A_14[%rem3A_279, %dma_start3A_397, %dma_start3A_398] : memref<2x1x80xi32, #tpu.memory_space<vmem>> -> memref<1x1x80xi32, #tpu.memory_space<vmem>>
          %dma_start3A_400 = tpu.memref_squeeze %dma_start3A_399 : memref<1x1x80xi32, #tpu.memory_space<vmem>> -> memref<1x80xi32, #tpu.memory_space<vmem>>
          %dma_start3A_401 = arith.constant 0 : i32
          %dma_start3A_402 = tpu.memref_slice %dma_start3A_400[%run_scoped3A_284, %dma_start3A_401] : memref<1x80xi32, #tpu.memory_space<vmem>> -> memref<1x80xi32, #tpu.memory_space<vmem>>
          %dma_start3A_403 = tpu.memref_squeeze %dma_start3A_402 : memref<1x80xi32, #tpu.memory_space<vmem>> -> memref<80xi32, #tpu.memory_space<vmem>>
          %dma_start3A_404 = arith.constant 0 : i32
          %dma_start3A_405 = arith.constant 0 : i32
          %dma_start3A_406 = tpu.memref_slice %arg9[%dma_start3A_404, %dma_start3A_405] : memref<10112x128xf32, #tpu.memory_space<vmem_shared>> -> memref<10112x128xf32, #tpu.memory_space<vmem_shared>>
          tpu.enqueue_indirect_dma source(%dma_start3A_396 : memref<80x128xf32, #tpu.memory_space<vmem>>) target(%dma_start3A_406 : memref<10112x128xf32, #tpu.memory_space<vmem_shared>>) offsets(%dma_start3A_403 : memref<80xi32, #tpu.memory_space<vmem>>) semaphore(%run_scoped3A_392 : memref<!tpu.dma_semaphore, #tpu.memory_space<semaphore_mem>>) {add = true}
          %dma_wait3A = arith.constant 0 : i32
          %dma_wait3A_407 = arith.constant 0 : i32
          %dma_wait3A_408 = tpu.memref_slice %run_scoped3A_16[%rem3A_281, %dma_wait3A, %dma_wait3A_407] : memref<2x80x128xf32, #tpu.memory_space<vmem>> -> memref<1x80x128xf32, #tpu.memory_space<vmem>>
          %dma_wait3A_409 = tpu.memref_squeeze %dma_wait3A_408 : memref<1x80x128xf32, #tpu.memory_space<vmem>> -> memref<80x128xf32, #tpu.memory_space<vmem>>
          %dma_wait3A_410 = arith.constant 0 : i32
          %dma_wait3A_411 = arith.constant 0 : i32
          %dma_wait3A_412 = tpu.memref_slice %run_scoped3A_14[%rem3A_279, %dma_wait3A_410, %dma_wait3A_411] : memref<2x1x80xi32, #tpu.memory_space<vmem>> -> memref<1x1x80xi32, #tpu.memory_space<vmem>>
          %dma_wait3A_413 = tpu.memref_squeeze %dma_wait3A_412 : memref<1x1x80xi32, #tpu.memory_space<vmem>> -> memref<1x80xi32, #tpu.memory_space<vmem>>
          %dma_wait3A_414 = arith.constant 0 : i32
          %dma_wait3A_415 = tpu.memref_slice %dma_wait3A_413[%run_scoped3A_284, %dma_wait3A_414] : memref<1x80xi32, #tpu.memory_space<vmem>> -> memref<1x80xi32, #tpu.memory_space<vmem>>
          %dma_wait3A_416 = tpu.memref_squeeze %dma_wait3A_415 : memref<1x80xi32, #tpu.memory_space<vmem>> -> memref<80xi32, #tpu.memory_space<vmem>>
          %dma_wait3A_417 = arith.constant 0 : i32
          %dma_wait3A_418 = arith.constant 0 : i32
          %dma_wait3A_419 = tpu.memref_slice %arg9[%dma_wait3A_417, %dma_wait3A_418] : memref<10112x128xf32, #tpu.memory_space<vmem_shared>> -> memref<10112x128xf32, #tpu.memory_space<vmem_shared>>
          tpu.wait_indirect_dma semaphore(%run_scoped3A_392 : memref<!tpu.dma_semaphore, #tpu.memory_space<semaphore_mem>>) src(%dma_wait3A_409 : memref<80x128xf32, #tpu.memory_space<vmem>>) dst(%dma_wait3A_419 : memref<10112x128xf32, #tpu.memory_space<vmem_shared>>)
          tpu.yield
        }) : () -> ()
        "tpu.trace_stop"() : () -> ()
        %ne3A_285 = arith.cmpi ne, %add3A_174, %add3A_192 : i32
        %or3A_286 = arith.constant false
        %or3A_287 = arith.ori %or3A_286, %ne3A_285 : i1
        %or3A_288 = arith.constant false
        %or3A_289 = arith.ori %or3A_287, %or3A_288 : i1
        %or3A_290 = arith.ori %or3A_289, %eq3A_173 : i1
        %convert_element_type3A_291 = arith.extui %or3A_290 : i1 to i32
        %cond3A_292 = arith.constant 0 : i32
        %cond3A_293 = arith.cmpi ne, %convert_element_type3A_291, %cond3A_292 : i32
        scf.if %cond3A_293 {
        } else {
        }
        %and3A_294 = arith.constant false
        %and3A_295 = arith.andi %or3A_290, %and3A_294 : i1
        %ne3A_296 = arith.cmpi ne, %add3A_174, %add3A_192 : i32
        %or3A_297 = arith.constant false
        %or3A_298 = arith.ori %or3A_297, %ne3A_296 : i1
        %or3A_299 = arith.constant false
        %or3A_300 = arith.ori %or3A_298, %or3A_299 : i1
        %or3A_301 = arith.ori %or3A_300, %eq3A_173 : i1
        %convert_element_type3A_302 = arith.extui %or3A_301 : i1 to i32
        %cond3A_303 = arith.constant 0 : i32
        %cond3A_304 = arith.cmpi ne, %convert_element_type3A_302, %cond3A_303 : i32
        scf.if %cond3A_304 {
        } else {
        }
        %and3A_305 = arith.constant false
        %and3A_306 = arith.andi %or3A_301, %and3A_305 : i1
        %ne3A_307 = arith.cmpi ne, %add3A_174, %add3A_192 : i32
        %or3A_308 = arith.constant false
        %or3A_309 = arith.ori %or3A_308, %ne3A_307 : i1
        %or3A_310 = arith.constant false
        %or3A_311 = arith.ori %or3A_309, %or3A_310 : i1
        %or3A_312 = arith.ori %or3A_311, %eq3A_173 : i1
        %convert_element_type3A_313 = arith.extui %or3A_312 : i1 to i32
        %cond3A_314 = arith.constant 0 : i32
        %cond3A_315 = arith.cmpi ne, %convert_element_type3A_313, %cond3A_314 : i32
        scf.if %cond3A_315 {
        } else {
        }
        %and3A_316 = arith.constant false
        %and3A_317 = arith.andi %or3A_312, %and3A_316 : i1
        %ne3A_318 = arith.cmpi ne, %add3A_174, %add3A_183 : i32
        %or3A_319 = arith.constant false
        %or3A_320 = arith.ori %or3A_319, %ne3A_318 : i1
        %or3A_321 = arith.constant false
        %or3A_322 = arith.ori %or3A_320, %or3A_321 : i1
        %not3A_323 = arith.constant true
        %not3A_324 = arith.xori %eq3A_171, %not3A_323 : i1
        %and3A_325 = arith.andi %or3A_322, %not3A_324 : i1
        %convert_element_type3A_326 = arith.extui %and3A_325 : i1 to i32
        %cond3A_327 = arith.constant 0 : i32
        %cond3A_328 = arith.cmpi ne, %convert_element_type3A_326, %cond3A_327 : i32
        scf.if %cond3A_328 {
        } else {
        }
        %and3A_329 = arith.constant false
        %and3A_330 = arith.andi %and3A_325, %and3A_329 : i1
        %ne3A_331 = arith.cmpi ne, %add3A_174, %add3A_183 : i32
        %or3A_332 = arith.constant false
        %or3A_333 = arith.ori %or3A_332, %ne3A_331 : i1
        %or3A_334 = arith.constant false
        %or3A_335 = arith.ori %or3A_333, %or3A_334 : i1
        %not3A_336 = arith.constant true
        %not3A_337 = arith.xori %eq3A_171, %not3A_336 : i1
        %and3A_338 = arith.andi %or3A_335, %not3A_337 : i1
        %convert_element_type3A_339 = arith.extui %and3A_338 : i1 to i32
        %cond3A_340 = arith.constant 0 : i32
        %cond3A_341 = arith.cmpi ne, %convert_element_type3A_339, %cond3A_340 : i32
        scf.if %cond3A_341 {
        } else {
        }
        %and3A_342 = arith.constant false
        %and3A_343 = arith.andi %and3A_338, %and3A_342 : i1
        %ne3A_344 = arith.cmpi ne, %add3A_174, %add3A_183 : i32
        %or3A_345 = arith.constant false
        %or3A_346 = arith.ori %or3A_345, %ne3A_344 : i1
        %or3A_347 = arith.constant false
        %or3A_348 = arith.ori %or3A_346, %or3A_347 : i1
        %not3A_349 = arith.constant true
        %not3A_350 = arith.xori %eq3A_171, %not3A_349 : i1
        %and3A_351 = arith.andi %or3A_348, %not3A_350 : i1
        %convert_element_type3A_352 = arith.extui %and3A_351 : i1 to i32
        %cond3A_353 = arith.constant 0 : i32
        %cond3A_354 = arith.cmpi ne, %convert_element_type3A_352, %cond3A_353 : i32
        scf.if %cond3A_354 {
        } else {
        }
        %and3A_355 = arith.constant false
        %and3A_356 = arith.andi %and3A_351, %and3A_355 : i1
        %ne3A_357 = arith.cmpi ne, %add3A_174, %add3A_192 : i32
        %or3A_358 = arith.constant false
        %or3A_359 = arith.ori %or3A_358, %ne3A_357 : i1
        %or3A_360 = arith.constant false
        %or3A_361 = arith.ori %or3A_359, %or3A_360 : i1
        %or3A_362 = arith.ori %or3A_361, %eq3A_173 : i1
        %add3A_363 = arith.constant 1 : i32
        %add3A_364 = arith.addi %scan3A_164, %add3A_363 : i32
        %select_n3A_365 = arith.select %or3A_362, %add3A_364, %scan3A_164 : i32
        %ne3A_366 = arith.cmpi ne, %add3A_174, %add3A_192 : i32
        %or3A_367 = arith.constant false
        %or3A_368 = arith.ori %or3A_367, %ne3A_366 : i1
        %or3A_369 = arith.constant false
        %or3A_370 = arith.ori %or3A_368, %or3A_369 : i1
        %or3A_371 = arith.ori %or3A_370, %eq3A_173 : i1
        %add3A_372 = arith.constant 1 : i32
        %add3A_373 = arith.addi %scan3A_166, %add3A_372 : i32
        %select_n3A_374 = arith.select %or3A_371, %add3A_373, %scan3A_166 : i32
        %ne3A_375 = arith.cmpi ne, %add3A_174, %add3A_192 : i32
        %or3A_376 = arith.constant false
        %or3A_377 = arith.ori %or3A_376, %ne3A_375 : i1
        %or3A_378 = arith.constant false
        %or3A_379 = arith.ori %or3A_377, %or3A_378 : i1
        %or3A_380 = arith.ori %or3A_379, %eq3A_173 : i1
        %add3A_381 = arith.constant 1 : i32
        %add3A_382 = arith.addi %scan3A_168, %add3A_381 : i32
        %select_n3A_383 = arith.select %or3A_380, %add3A_382, %scan3A_168 : i32
        %add3A_384 = arith.constant 1 : i32
        %add3A_385 = arith.addi %scan3A_169, %add3A_384 : i32
        %select_n3A_386 = arith.constant true
        %select_n3A_387 = arith.select %select_n3A_386, %add3A_385, %scan3A_169 : i32
        %eq3A_388 = arith.constant 128 : i32
        %eq3A_389 = arith.cmpi eq, %select_n3A_387, %eq3A_388 : i32
        %select_n3A_390 = arith.constant 0 : i32
        %select_n3A_391 = arith.select %eq3A_389, %select_n3A_390, %select_n3A_387 : i32
        scf.yield %select_n3A_212, %select_n3A_365, %select_n3A_230, %select_n3A_374, %select_n3A_248, %select_n3A_383, %select_n3A_391 : i32, i32, i32, i32, i32, i32, i32
      }
      %scan3A_126 = arith.constant 128 : i32
      %sub3A = arith.constant 1 : i32
      %sub3A_127 = arith.subi %scan3A_125#6, %sub3A : i32
      %select_n3A_128 = arith.constant true
      %select_n3A_129 = arith.select %select_n3A_128, %sub3A_127, %scan3A_125#6 : i32
      %eq3A_130 = arith.constant -1 : i32
      %eq3A_131 = arith.cmpi eq, %select_n3A_129, %eq3A_130 : i32
      %select_n3A_132 = arith.constant 127 : i32
      %select_n3A_133 = arith.select %eq3A_131, %select_n3A_132, %select_n3A_129 : i32
      %add3A_134 = arith.addi %select_n3A_133, %mul3A_8 : i32
      %sub3A_135 = arith.constant 1 : i32
      %sub3A_136 = arith.subi %select_n3A_133, %sub3A_135 : i32
      %select_n3A_137 = arith.constant true
      %select_n3A_138 = arith.select %select_n3A_137, %sub3A_136, %select_n3A_133 : i32
      %eq3A_139 = arith.constant -1 : i32
      %eq3A_140 = arith.cmpi eq, %select_n3A_138, %eq3A_139 : i32
      %select_n3A_141 = arith.constant 127 : i32
      %select_n3A_142 = arith.select %eq3A_140, %select_n3A_141, %select_n3A_138 : i32
      %add3A_143 = arith.addi %select_n3A_142, %mul3A_8 : i32
      %add3A_144 = arith.constant 1 : i32
      %add3A_145 = arith.addi %select_n3A_133, %add3A_144 : i32
      %select_n3A_146 = arith.constant true
      %select_n3A_147 = arith.select %select_n3A_146, %add3A_145, %select_n3A_133 : i32
      %eq3A_148 = arith.constant 128 : i32
      %eq3A_149 = arith.cmpi eq, %select_n3A_147, %eq3A_148 : i32
      %select_n3A_150 = arith.constant 0 : i32
      %select_n3A_151 = arith.select %eq3A_149, %select_n3A_150, %select_n3A_147 : i32
      %add3A_152 = arith.addi %select_n3A_151, %mul3A_8 : i32
      %add3A_153 = arith.constant 1 : i32
      %add3A_154 = arith.addi %select_n3A_151, %add3A_153 : i32
      %select_n3A_155 = arith.constant true
      %select_n3A_156 = arith.select %select_n3A_155, %add3A_154, %select_n3A_151 : i32
      %eq3A_157 = arith.constant 128 : i32
      %eq3A_158 = arith.cmpi eq, %select_n3A_156, %eq3A_157 : i32
      %select_n3A_159 = arith.constant 0 : i32
      %select_n3A_160 = arith.select %eq3A_158, %select_n3A_159, %select_n3A_156 : i32
      %add3A_161 = arith.addi %select_n3A_160, %mul3A_8 : i32
      tpu.yield
    }) : () -> ()
    %barrier3A_9 = arith.constant 0 : index
    tpu.barrier barrier_id(%barrier3A_9)
    %mul3A_10 = arith.constant 10112 : i32
    %mul3A_11 = arith.muli %arg0, %mul3A_10 : i32
    %add3A_12 = arith.addi %mul3A_11, %mul3A_0 : i32
    "tpu.region"() ({
      %run_scoped3A = tpu.sem_alloc : memref<!tpu.dma_semaphore, #tpu.memory_space<semaphore_mem>>
      %dma_start3A = arith.constant 0 : i32
      %dma_start3A_13 = tpu.memref_slice %arg7[%add3A_12, %dma_start3A] : memref<20224x128xf32, #tpu.memory_space<hbm>> -> memref<632x128xf32, #tpu.memory_space<hbm>>
      %dma_start3A_14 = arith.constant 0 : i32
      %dma_start3A_15 = tpu.memref_slice %arg9[%mul3A_0, %dma_start3A_14] : memref<10112x128xf32, #tpu.memory_space<vmem_shared>> -> memref<632x128xf32, #tpu.memory_space<vmem_shared>>
      tpu.enqueue_dma source(%dma_start3A_15 : memref<632x128xf32, #tpu.memory_space<vmem_shared>>) target(%dma_start3A_13 : memref<632x128xf32, #tpu.memory_space<hbm>>) target_semaphore(%run_scoped3A : memref<!tpu.dma_semaphore, #tpu.memory_space<semaphore_mem>>)
      %dma_wait3A = arith.constant 0 : i32
      %dma_wait3A_16 = tpu.memref_slice %arg7[%add3A_12, %dma_wait3A] : memref<20224x128xf32, #tpu.memory_space<hbm>> -> memref<632x128xf32, #tpu.memory_space<hbm>>
      %dma_wait3A_17 = arith.constant 0 : i32
      %dma_wait3A_18 = tpu.memref_slice %arg9[%mul3A_0, %dma_wait3A_17] : memref<10112x128xf32, #tpu.memory_space<vmem_shared>> -> memref<632x128xf32, #tpu.memory_space<vmem_shared>>
      tpu.wait_dma2 semaphore(%run_scoped3A : memref<!tpu.dma_semaphore, #tpu.memory_space<semaphore_mem>>) src(%dma_wait3A_18 : memref<632x128xf32, #tpu.memory_space<vmem_shared>>) dst(%dma_wait3A_16 : memref<632x128xf32, #tpu.memory_space<hbm>>)
      tpu.yield
    }) : () -> ()
    return
  }
}

module attributes {stable_mosaic.version = 14 : i64} {
  func.func @_tc_combine_body(%arg0: i32, %arg1: memref<2x1000x128xf32, #tpu.memory_space<vmem>>, %arg2: memref<128x128xf32, #tpu.memory_space<vmem>>, %arg3: memref<1x128xf32, #tpu.memory_space<vmem>>, %arg4: memref<128x128xf32, #tpu.memory_space<vmem>>, %arg5: memref<1x128xf32, #tpu.memory_space<vmem>>, %arg6: memref<1000x128xf32, #tpu.memory_space<vmem>>) attributes {dimension_semantics = [#tpu.dimension_semantics<arbitrary>], iteration_bounds = array<i64: 10>, scalar_prefetch = 0 : i64, scratch_operands = 0 : i64, tpu.core_type = #tpu.core_type<tc>, window_params = [{transform_indices = @transform_0, window_bounds = array<i64: 2, 1000, 128>}, {pipeline_mode = #tpu.pipeline_mode<synchronous>, transform_indices = @transform_1, window_bounds = array<i64: 128, 128>}, {pipeline_mode = #tpu.pipeline_mode<synchronous>, transform_indices = @transform_2, window_bounds = array<i64: 1, 128>}, {pipeline_mode = #tpu.pipeline_mode<synchronous>, transform_indices = @transform_3, window_bounds = array<i64: 128, 128>}, {pipeline_mode = #tpu.pipeline_mode<synchronous>, transform_indices = @transform_4, window_bounds = array<i64: 1, 128>}, {transform_indices = @transform_5, window_bounds = array<i64: 1000, 128>}]} {
    %get3A = arith.constant 0 : index
    %get3A_0 = arith.constant 0 : index
    %get3A_1 = arith.constant 0 : index
    %get3A_2 = vector.load %arg1[%get3A, %get3A_0, %get3A_1] : memref<2x1000x128xf32, #tpu.memory_space<vmem>>, vector<1x1000x128xf32>
    %get3A_3 = vector.shape_cast %get3A_2 : vector<1x1000x128xf32> to vector<1000x128xf32>
    %get3A_4 = arith.constant 1 : index
    %get3A_5 = arith.constant 0 : index
    %get3A_6 = arith.constant 0 : index
    %get3A_7 = vector.load %arg1[%get3A_4, %get3A_5, %get3A_6] : memref<2x1000x128xf32, #tpu.memory_space<vmem>>, vector<1x1000x128xf32>
    %get3A_8 = vector.shape_cast %get3A_7 : vector<1x1000x128xf32> to vector<1000x128xf32>
    %add3A = arith.addf %get3A_3, %get3A_8 : vector<1000x128xf32>
    %get3A_9 = arith.constant 0 : index
    %get3A_10 = arith.constant 0 : index
    %get3A_11 = vector.load %arg2[%get3A_9, %get3A_10] : memref<128x128xf32, #tpu.memory_space<vmem>>, vector<128x128xf32>
    %dot_general3A = arith.constant dense<0.000000e+00> : vector<1000x128xf32>
    %dot_general3A_12 = tpu.matmul %add3A, %get3A_11, %dot_general3A {dimension_numbers = #tpu.dot_dimension_numbers<[1], [0], [0], [1], [0, 0, 1, 1], [], []>, transpose_lhs_hint = false} : vector<1000x128xf32>, vector<128x128xf32>, vector<1000x128xf32> -> vector<1000x128xf32>
    %get3A_13 = arith.constant 0 : index
    %get3A_14 = arith.constant 0 : index
    %get3A_15 = vector.load %arg3[%get3A_13, %get3A_14] : memref<1x128xf32, #tpu.memory_space<vmem>>, vector<1x128xf32>
    %add3A_16 = vector.broadcast %get3A_15 : vector<1x128xf32> to vector<1000x128xf32>
    %add3A_17 = arith.addf %dot_general3A_12, %add3A_16 : vector<1000x128xf32>
    %max3A = arith.constant 0.000000e+00 : f32
    %max3A_18 = vector.broadcast %max3A : f32 to vector<1000x128xf32>
    %max3A_19 = arith.maximumf %add3A_17, %max3A_18 : vector<1000x128xf32>
    %get3A_20 = arith.constant 0 : index
    %get3A_21 = arith.constant 0 : index
    %get3A_22 = vector.load %arg4[%get3A_20, %get3A_21] : memref<128x128xf32, #tpu.memory_space<vmem>>, vector<128x128xf32>
    %dot_general3A_23 = arith.constant dense<0.000000e+00> : vector<1000x128xf32>
    %dot_general3A_24 = tpu.matmul %max3A_19, %get3A_22, %dot_general3A_23 {dimension_numbers = #tpu.dot_dimension_numbers<[1], [0], [0], [1], [0, 0, 1, 1], [], []>, transpose_lhs_hint = false} : vector<1000x128xf32>, vector<128x128xf32>, vector<1000x128xf32> -> vector<1000x128xf32>
    %get3A_25 = arith.constant 0 : index
    %get3A_26 = arith.constant 0 : index
    %get3A_27 = vector.load %arg5[%get3A_25, %get3A_26] : memref<1x128xf32, #tpu.memory_space<vmem>>, vector<1x128xf32>
    %add3A_28 = vector.broadcast %get3A_27 : vector<1x128xf32> to vector<1000x128xf32>
    %add3A_29 = arith.addf %dot_general3A_24, %add3A_28 : vector<1000x128xf32>
    %swap3A = arith.constant 0 : index
    %swap3A_30 = arith.constant 0 : index
    %swap3A_31 = vector.load %arg6[%swap3A, %swap3A_30] : memref<1000x128xf32, #tpu.memory_space<vmem>>, vector<1000x128xf32>
    tpu.vector_store %arg6[%swap3A, %swap3A_30], %add3A_29 {strides = array<i32>} : memref<1000x128xf32, #tpu.memory_space<vmem>>, vector<1000x128xf32>,
    return
  }
  func.func @transform_0(%arg0: i32) -> (i32, i32, i32) {
    %c0_i32 = arith.constant 0 : i32
    %c0_i32_0 = arith.constant 0 : i32
    %c0_i32_1 = arith.constant 0 : i32
    return %c0_i32, %arg0, %c0_i32_0 : i32, i32, i32
  }
  func.func @transform_1(%arg0: i32) -> (i32, i32) {
    %c0_i32 = arith.constant 0 : i32
    %c0_i32_0 = arith.constant 0 : i32
    %c0_i32_1 = arith.constant 0 : i32
    return %c0_i32, %c0_i32_0 : i32, i32
  }
  func.func @transform_2(%arg0: i32) -> (i32, i32) {
    %c0_i32 = arith.constant 0 : i32
    %c0_i32_0 = arith.constant 0 : i32
    %c0_i32_1 = arith.constant 0 : i32
    return %c0_i32, %c0_i32_0 : i32, i32
  }
  func.func @transform_3(%arg0: i32) -> (i32, i32) {
    %c0_i32 = arith.constant 0 : i32
    %c0_i32_0 = arith.constant 0 : i32
    %c0_i32_1 = arith.constant 0 : i32
    return %c0_i32, %c0_i32_0 : i32, i32
  }
  func.func @transform_4(%arg0: i32) -> (i32, i32) {
    %c0_i32 = arith.constant 0 : i32
    %c0_i32_0 = arith.constant 0 : i32
    %c0_i32_1 = arith.constant 0 : i32
    return %c0_i32, %c0_i32_0 : i32, i32
  }
  func.func @transform_5(%arg0: i32) -> (i32, i32) {
    %c0_i32 = arith.constant 0 : i32
    %c0_i32_0 = arith.constant 0 : i32
    return %arg0, %c0_i32 : i32, i32
  }
}

module attributes {stable_mosaic.version = 14 : i64} {
  func.func @_edge_mlp_body(%arg0: i32, %arg1: memref<8192x16xf32, #tpu.memory_space<vmem>>, %arg2: memref<16x128xf32, #tpu.memory_space<vmem>>, %arg3: memref<8192x128xf32, #tpu.memory_space<vmem>>) attributes {dimension_semantics = [#tpu.dimension_semantics<arbitrary>], iteration_bounds = array<i64: 40>, scalar_prefetch = 0 : i64, scratch_operands = 0 : i64, tpu.core_type = #tpu.core_type<tc>, window_params = [{transform_indices = @transform_0, window_bounds = array<i64: 8192, 16>}, {pipeline_mode = #tpu.pipeline_mode<synchronous>, transform_indices = @transform_1, window_bounds = array<i64: 16, 128>}, {transform_indices = @transform_2, window_bounds = array<i64: 8192, 128>}]} {
    %get3A = arith.constant 0 : index
    %get3A_0 = arith.constant 0 : index
    %get3A_1 = vector.load %arg1[%get3A, %get3A_0] : memref<8192x16xf32, #tpu.memory_space<vmem>>, vector<8192x16xf32>
    %get3A_2 = arith.constant 0 : index
    %get3A_3 = arith.constant 0 : index
    %get3A_4 = vector.load %arg2[%get3A_2, %get3A_3] : memref<16x128xf32, #tpu.memory_space<vmem>>, vector<16x128xf32>
    %dot_general3A = arith.constant dense<0.000000e+00> : vector<8192x128xf32>
    %dot_general3A_5 = tpu.matmul %get3A_1, %get3A_4, %dot_general3A {dimension_numbers = #tpu.dot_dimension_numbers<[1], [0], [0], [1], [0, 0, 1, 1], [], []>, transpose_lhs_hint = false} : vector<8192x16xf32>, vector<16x128xf32>, vector<8192x128xf32> -> vector<8192x128xf32>
    %swap3A = arith.constant 0 : index
    %swap3A_6 = arith.constant 0 : index
    %swap3A_7 = vector.load %arg3[%swap3A, %swap3A_6] : memref<8192x128xf32, #tpu.memory_space<vmem>>, vector<8192x128xf32>
    tpu.vector_store %arg3[%swap3A, %swap3A_6], %dot_general3A_5 {strides = array<i32>} : memref<8192x128xf32, #tpu.memory_space<vmem>>, vector<8192x128xf32>,
    return
  }
  func.func @transform_0(%arg0: i32) -> (i32, i32) {
    %c0_i32 = arith.constant 0 : i32
    %c0_i32_0 = arith.constant 0 : i32
    return %arg0, %c0_i32 : i32, i32
  }
  func.func @transform_1(%arg0: i32) -> (i32, i32) {
    %c0_i32 = arith.constant 0 : i32
    %c0_i32_0 = arith.constant 0 : i32
    %c0_i32_1 = arith.constant 0 : i32
    return %c0_i32, %c0_i32_0 : i32, i32
  }
  func.func @transform_2(%arg0: i32) -> (i32, i32) {
    %c0_i32 = arith.constant 0 : i32
    %c0_i32_0 = arith.constant 0 : i32
    return %arg0, %c0_i32 : i32, i32
  }
}

</mosaic_0001>

<sc_bundles>
// kernel: kernel.5.cloned.1.call-start
scs
__scs_entry_jumppad:
0x0: {  	(pc) =	sbr.rel $0x88, $3  }
0x1: {  	(tag) =	ssettag $0x0;
	lr =	simm.s32 $0x1  }
0x2: {  	[smem:$0x3F98] =	sst lr;
	_ =	strace $0xD0000000  }
0x3: {  	_ = 	snop  }
0x4: {  	_ = 	snop  }
0x5: {  	_ = 	snop  }
0x6: {  	_ = 	snop  }
0x7: {  	_ = 	snop  }
__scs_overlays_trampoline_lowered:
0x8: {  	[smem:$0x3FA7] =	sst s0  }
0x9: {  	[smem:$0x3FA8] =	sst s1  }
0xa: {  	[smem:$0x3FA9] =	sst s2  }
0xb: {  	[smem:$0x3FAA] =	sst s3  }
0xc: {  	[smem:$0x3FAB] =	sst s4  }
0xd: {  	[smem:$0x3FAC] =	sst s5  }
0xe: {  	[smem:$0x3FAD] =	sst s6  }
0xf: {  	[smem:$0x3FAE] =	sst s7  }
0x10: {  	[smem:$0x3FAF] =	sst s8  }
0x11: {  	[smem:$0x3FB0] =	sst s9;
	s0 =	simm.s32 @!p0 $0x0  }
0x12: {  	s1 =	sld [smem:$0x3F96];
	s0 =	simm.s32 @p0 $0x1  }
0x13: {  	[smem:$0x3FB1] =	sst s0;
	s0 =	simm.s32 @!p1 $0x0  }
0x14: {  	s2 =	sld [smem:$0x3F95];
	s0 =	simm.s32 @p1 $0x1  }
0x15: {  	[smem:$0x3FB2] =	sst s0;
	s0 =	simm.s32 @!p2 $0x0  }
0x16: {  	s3 =	sld [smem:$0x3FDB];
	s0 =	simm.s32 @p2 $0x1  }
0x17: {  	s4 =	simm.s32 $0x1BF5;
	[smem:$0x3FB4] =	sst s0  }
0x18: {  	s0 =	sld [smem:$0x3F97];
	_ =	swait.ge [sflag:s4], $0x0  }
0x19: {  	s7 =	sld [smem:$0x3F98]  }
0x1a: {  	s8 =	sadd.s32 $0xFFFFE003, lr  }
0x1b: {  	s9 =	sadd.s32 $0xFFFFFEF7, lr;
	s5 =	simm.s32 $0xFFFFFFFF;
	p2 =	slt.u32 s8, $0xFFFFF086  }
0x1c: {  	p1 =	slt.u32 s9, $0xF7A;
	s5 =	simm.s32 @!p2 $0x0  }
0x1d: {  	s5 =	simm.s32 @p1 $0x1;
	p0 =	seq.s32 s7, s2  }
0x1e: {  	s7 =	smul.u32 @!p0 $0xF7A, s2;
	p2 =	seq.s32 @!p0 s5, $0x0  }
0x1f: {  	s9 =	smul.u32 $0xF7A, s1;
	s8 =	simm.s32 @!p0 $0x1BF5;
	p2 =	por !p2, p0  }
0x20: {  	[sflag:s8] =	ssyncset.s32 @!p0 $0xFFFFF086;
	s6 =	sadd.s32 @!p0 s3, s7;
	s7 =	simm.s32 @!p0 $0x108  }
0x21: {  	s3 =	sadd.s32 s3, s9;
	s6 =	sadd.s32 @!p0 $0x88, s6;
	s7 =	simm.s32 @p2 $0x1082  }
0x22: {  	[simem:s7], [sflag:s8] =	dma.local @!p0 [hbm:s6], $0xF7A  }
0x23: {  	s9 =	sor.u32 $0xD0000000, s2;
	s6 =	simm.s32 $0x108;
	_ =	swait.ge @!p0 [sflag:s8], $0x0  }
0x24: {  	s3 =	sadd.s32 $0x88, s3;
	s6 =	simm.s32 @!p1 $0x1082;
	[sflag:s4] =	ssyncset.s32 $0xFFFFF086  }
0x25: {  	[simem:s6], [sflag:s4] =	dma.local [hbm:s3], $0xF7A  }
0x26: {  	[smem:$0x3F98] =	sst s1;
	(tag) =	ssettag s2;
	_ =	strace s9  }
0x27: {  	s1 =	sld [smem:$0x3FA8]  }
0x28: {  	s2 =	sld [smem:$0x3FA9]  }
0x29: {  	s4 =	sld [smem:$0x3FAB]  }
0x2a: {  	p0 =	seq.s32 s5, $0x0;
	s5 =	sld [smem:$0x3FAC]  }
0x2b: {  	s6 =	sld [smem:$0x3FAD]  }
0x2c: {  	s7 =	sld [smem:$0x3FAE]  }
0x2d: {  	s3 =	simm.s32 $0x108;
	s8 =	sld [smem:$0x3FAF]  }
0x2e: {  	s3 =	simm.s32 @!p0 $0x1082;
	s9 =	sld [smem:$0x3FB0]  }
0x2f: {  	lr =	sadd.s32 s0, s3;
	s0 =	sld [smem:$0x3FA7]  }
0x30: {  	s3 =	sld [smem:$0x3FAA]  }
0x31: {  	[smem:$0x3FB3] =	sst s10  }
0x32: {  	s10 =	sld [smem:$0x3FB1];
	_ =	sdelay $0x3  }
0x33: {  	p0 =	seq.s32 s10, $0x1;
	s10 =	sld [smem:$0x3FB3];
	_ =	sdelay $0x3  }
0x34: {  	[smem:$0x3FB3] =	sst s10  }
0x35: {  	s10 =	sld [smem:$0x3FB2];
	_ =	sdelay $0x3  }
0x36: {  	p1 =	seq.s32 s10, $0x1;
	s10 =	sld [smem:$0x3FB3];
	_ =	sdelay $0x3  }
0x37: {  	[smem:$0x3FB3] =	sst s10  }
0x38: {  	s10 =	sld [smem:$0x3FB4]  }
0x39: {  	_ = 	snop;
	(pc) =	sbr.ind lr, $3  }
0x3a: {  	_ = 	snop  }
0x3b: {  	_ = 	snop  }
0x3c: {  	p2 =	seq.s32 s10, $0x1;
	s10 =	sld [smem:$0x3FB3]  }
0x3d: {  	_ =	shalt  }
0x3e: {  	_ =	shalt  }
0x3f: {  	_ =	shalt  }
0x40: {  	_ =	shalt  }
0x41: {  	_ =	shalt  }
0x42: {  	_ =	shalt  }
0x43: {  	_ =	shalt  }
0x44: {  	_ =	shalt  }
0x45: {  	_ =	shalt  }
0x46: {  	_ =	shalt  }
0x47: {  	_ =	shalt  }
0x48: {  	_ =	shalt  }
0x49: {  	_ =	shalt  }
0x4a: {  	_ =	shalt  }
0x4b: {  	_ =	shalt  }
0x4c: {  	_ =	shalt  }
0x4d: {  	_ =	shalt  }
0x4e: {  	_ =	shalt  }
0x4f: {  	_ =	shalt  }
0x50: {  	_ =	shalt  }
0x51: {  	_ =	shalt  }
0x52: {  	_ =	shalt  }
0x53: {  	_ =	shalt  }
0x54: {  	_ =	shalt  }
0x55: {  	_ =	shalt  }
0x56: {  	_ =	shalt  }
0x57: {  	_ =	shalt  }
0x58: {  	_ =	shalt  }
0x59: {  	_ =	shalt  }
0x5a: {  	_ =	shalt  }
0x5b: {  	_ =	shalt  }
0x5c: {  	_ =	shalt  }
0x5d: {  	_ =	shalt  }
0x5e: {  	_ =	shalt  }
0x5f: {  	_ =	shalt  }
0x60: {  	_ =	shalt  }
0x61: {  	_ =	shalt  }
0x62: {  	_ =	shalt  }
0x63: {  	_ =	shalt  }
0x64: {  	_ =	shalt  }
0x65: {  	_ =	shalt  }
0x66: {  	_ =	shalt  }
0x67: {  	_ =	shalt  }
0x68: {  	_ =	shalt  }
0x69: {  	_ =	shalt  }
0x6a: {  	_ =	shalt  }
0x6b: {  	_ =	shalt  }
0x6c: {  	_ =	shalt  }
0x6d: {  	_ =	shalt  }
0x6e: {  	_ =	shalt  }
0x6f: {  	_ =	shalt  }
0x70: {  	_ =	shalt  }
0x71: {  	_ =	shalt  }
0x72: {  	_ =	shalt  }
0x73: {  	_ =	shalt  }
0x74: {  	_ =	shalt  }
0x75: {  	_ =	shalt  }
0x76: {  	_ =	shalt  }
0x77: {  	_ =	shalt  }
0x78: {  	_ =	shalt  }
0x79: {  	_ =	shalt  }
0x7a: {  	_ =	shalt  }
0x7b: {  	_ =	shalt  }
0x7c: {  	_ =	shalt  }
0x7d: {  	_ =	shalt  }
0x7e: {  	_ =	shalt  }
0x7f: {  	_ =	shalt  }
0x80: {  	_ =	shalt  }
0x81: {  	_ =	shalt  }
0x82: {  	_ =	shalt  }
0x83: {  	_ =	shalt  }
0x84: {  	_ =	shalt  }
0x85: {  	_ =	shalt  }
0x86: {  	_ =	shalt  }
0x87: {  	_ =	shalt  }
.Lfunc_end0:
.L_simem_size_0:
called_computation_lowered:
.L_overlay_start_0:
0x88: {  	s2 =	sld [smem:$0x3FD9]  }
0x89: {  	s3 =	sld [smem:$0x3FFE];
	_ =	sdelay $0x1  }
0x8a: {  	s1 =	srdreg.scid  }
0x8b: {  	s0 =	sand.u32 $0x1, s1  }
0x8c: {  	s17 =	sshll.u32 s0, $0xA;
	s2 =	sadd.s32 s3, s2  }
0x8d: {  	s2 =	sadd.s32 s2, s17  }
0x8e: {  	[smem:$0x3FBF] =	sst s2  }
0x8f: {  	_ = 	snop  }
0x90: {  	s2 =	sld [smem:$0x3FD0];
	(tm) =	ssettm $0x1  }
0x91: {  	s18 =	sld [smem:$0x3FFB];
	_ =	sdelay $0x3  }
0x92: {  	_ =	strace s18  }
0x93: {  	s3 =	sld [smem:$0x3FFC];
	_ =	sdelay $0x3  }
0x94: {  	_ =	strace s3  }
0x95: {  	s3 =	sld [smem:$0x3FFD];
	_ =	sdelay $0x3  }
0x96: {  	_ =	strace s3  }
0x97: {  	_ =	strace $0x8FFFFFFF  }
0x98: {  	s19 =	sld [smem:$0x3FDB];
	_ =	sdelay $0x1  }
0x99: {  	s4 =	simm.s32 $_scs_section_size  }
0x9a: {  	s5 =	simm.s32 $_size__tile_overlayer_lowered;
	s6 =	simm.s32 $_tile_overlayer_lowered  }
0x9b: {  	s22 =	simm.s32 $0x1BFF;
	s21 =	sshll.u32 s6, $0x1;
	s3 =	sadd.s32 s4, s19  }
0x9c: {  	s7 =	simm.s32 $0x0;
	s20 =	sshll.u32 s5, $0x1;
	s5 =	sadd.s32 s21, s3  }
0x9d: {  	[timem:s7], [sflag:s22] =	dma.local [hbm:s5], s20  }
0x9e: {  	_ =	swait.ge [sflag:s22], s20  }
0x9f: {  	s4 =	ssub.s32 $0x0, s20;
	[sflag:s22] =	ssyncset.done $0x0  }
0xa0: {  	[sflag:s22] =	ssyncadd.s32 s4;
	_ =	sdelay $0x1  }
0xa1: {  	s23 =	simm.s32 $0x1B8B  }
0xa2: {  	_ =	swait.ge [sflag:s23], $0x1  }
0xa3: {  	[sflag:s23] =	ssyncset.done $0x0  }
0xa4: {  	s25 =	simm.s32 $0x1B8E;
	s24 =	sld [smem:$0x3FFE];
	[sflag:s23] =	ssyncadd.s32 $0xFFFFFFFF  }
0xa5: {  	s26 =	simm.s32 $execute0_lowered;
	[smem:$0x3FD2] =	sst s25  }
0xa6: {  	s5 =	sshll.u32 s26, $0x1;
	_ =	strace $0x80000046;
	[dreg:$0x1] =	wrdreg $0xFFFFFFFF  }
0xa7: {  	s28 =	simm.s32 $_size_execute0_lowered;
	s3 =	sadd.s32 s3, s5;
	[dreg:$0x0] =	wrdreg $0x0  }
0xa8: {  	s5 =	sshll.u32 s28, $0x1;
	[dreg:$0x2] =	wrdreg s3  }
0xa9: {  	[dreg:$0x3] =	wrdreg s5  }
0xaa: {  	[dreg:$0x4] =	wrdreg $0xC0  }
0xab: {  	_ =	task [dreg:s7], $0x5FFFF  }
0xac: {  	[dreg:$0x1] =	wrdreg $0xFFFFFFFF  }
0xad: {  	[dreg:$0x0] =	wrdreg $0x60  }
0xae: {  	[dreg:$0x2] =	wrdreg s24  }
0xaf: {  	[dreg:$0x3] =	wrdreg s2  }
0xb0: {  	[dreg:$0x4] =	wrdreg $0x28000  }
0xb1: {  	[dreg:$0x5] =	wrdreg $0x9  }
0xb2: {  	_ =	task.clear_ibuf [dreg:s7], $0x6FFFF;
	_ =	strace $0x90000046  }
0xb3: {  	s29 =	simm.s32 $0x9;
	_ =	strace $0x80000050  }
0xb4: {  	_ =	swait.ge [sflag:s29], $0x1  }
0xb5: {  	[sflag:s29] =	ssyncadd.s32 $0xFFFFFFFF  }
0xb6: {  	_ =	strace $0x90000050  }
0xb7: {  	_ =	sfence  }
0xb8: {  	s30 =	sld [smem:$0x0];
	_ =	sdelay $0x2  }
0xb9: {  	s31 =	sshll.u32 s1, $0xD;
	s1 =	sshrl.u32 s1, $0x2  }
0xba: {  	s3 =	sand.u32 $0x4000, s31;
	s1 =	sadd.s32 s1, s30  }
0xbb: {  	s0 =	sor.u32 s3, s0;
	s1 =	sshll.u32 s1, $0x11  }
0xbc: {  	s0 =	sor.u32 s1, s0  }
0xbd: {  	s0 =	sadd.s32 $0x8F2B, s0  }
0xbe: {  	[sflag:s0] =	ssyncadd.remote.s32 $0x1  }
0xbf: {  	_ =	sfence.sel $0xFFFF  }
0xc0: {  	[dreg:$0x0] =	wrdreg $0xFFFFFFFF;
	(pc) =	sbr.abs _section_cstart, $3  }
0xc1: {  	[dreg:$0x1] =	wrdreg $0xFFFFFFFF  }
0xc2: {  	_ =	task.clear_ibuf [dreg:s7], $0x2FFFF;
	_ =	strace $0x9FFFFFFF  }
0xc3: {  	(tm) =	ssettm $0x7FFFFFFF  }
tec
execute0_lowered:
.L_overlay_start_1:
0x0: {  	(tag) =	ssettag $0x1  }
0x1: {  	s0 =	rddreg [dreg:$0x0]  }
0x2: {  	s1 =	rddreg [dreg:$0x1]  }
0x3: {  	s4 =	rddreg [dreg:$0x2]  }
0x4: {  	s5 =	simm.s32 $0x0;
	s2 =	srdreg.scid;
	s3 =	stileid.u32  }
0x5: {  	s18 =	simm.s32 $0x50;
	s19 =	simm.s32 $0x7;
	s31 =	simm.s32 $0x18E00  }
0x6: {  	[smem:$0x7FF] =	sst s5;
	s2 =	sand.u32 $0x1, s2;
	s7 =	smul.u32 $0x2780, s3  }
0x7: {  	s21 =	sadd.s32 $0x11200, s0;
	s22 =	sadd.s32 $0x1200, s0;
	s23 =	smul.u32 $0x4F000, s3  }
0x8: {  	s6 =	sadd.s32 $0x38A00, s0;
	_ =	strace $0x80000047;
	[dreg:$0x5] =	wrdreg s21  }
0x9: {  	s12 =	sadd.s32 $0x9F3200, s0;
	s8 =	smul.u32 $0x27800, s2;
	[dreg:$0x8] =	wrdreg s6  }
0xa: {  	s24 =	ssub.s32 $0x2, s2;
	s2 =	sshll.u32 s2, $0x4;
	[dreg:$0x7] =	wrdreg s22  }
0xb: {  	s26 =	sshll.u32 s3, $0x6;
	[dreg:$0x6] =	wrdreg s31;
	s2 =	sor.u32 s3, s2  }
0xc: {  	s9 =	sshrl.u32 s24, $0x1;
	s3 =	sor.u32 $0x1C01, s26;
	s10 =	sshll.u32 s2, $0x7  }
0xd: {  	s11 =	smul.u32 $0x28000, s2;
	s2 =	sshll.u32 s2, $0xB;
	[dreg:$0x9] =	wrdreg s3  }
0xe: {  	s7 =	sadd.s32 s7, s8;
	[dreg:$0x4] =	wrdreg s10;
	s1 =	sadd.s32 s1, s2  }
0xf: {  	s8 =	sshrl.u32 s23, $0x2;
	s28 =	sadd.s32 s22, s2;
	[dreg:$0xa] =	wrdreg s1  }
0x10: {  	s0 =	sadd.s32 s7, s0;
	[dreg:$0xb] =	wrdreg s28;
	s29 =	sadd.s32 s12, s11  }
0x11: {  	s7 =	ssub.s32 s24, s9;
	s0 =	sadd.s32 $0x3B200, s0;
	[dreg:$0xc] =	wrdreg s29  }
0x12: {  	s25 =	sadd.s32 s8, s4;
	s30 =	smax.u32 s7, $0x1;
	[dreg:$0xd] =	wrdreg s0  }
0x13: {  	s6 =	smov.u32 s12;
	s1 =	sshrl.u32 s25, $0x3;
	[dreg:$0xe] =	wrdreg s30  }
0x14: {  	s4 =	simm.s32 $0x1;
	s2 =	simm.s32 $0x0;
	[dreg:$0xf] =	wrdreg s1  }
.LBB2_1:
0x15: {  	[dreg:$0x10] =	wrdreg s2  }
0x16: {  	s0 =	rddreg [dreg:$0x8]  }
0x17: {  	[spmem:s1], [sflag:s3] =	dma.local [hbm:s0], $0x2780  }
0x18: {  	_ =	swait.ge [sflag:s4], $0x2780  }
0x19: {  	[sflag:s4] =	ssyncset.done $0x0  }
0x1a: {  	[sflag:s4] =	ssyncadd.s32 $0xFFFFD880  }
0x1b: {  	[bflag:$0x0] =	sbarrier.arrive $0xFFFF  }
0x1c: {  	s5 =	simm.s32 $0x0;
	s8 =	simm.s32 $0x16400;
	_ =	strace $0x80000048  }
0x1d: {  	s10 =	simm.s32 $0x16500;
	s12 =	simm.s32 $0x16600;
	s7 =	rddreg [dreg:$0xa]  }
0x1e: {  	[tilespmem:s8], [sflag:$0x1] =	stream.linear.gather [hbm4b:s7+s5], $0x80, $0x200038;
	[tilespmem:$0x1B600] =	vst v63  }
0x1f: {  	s22 =	simm.s32 $0x1;
	p0 =	por $0x0, $0x0;
	s9 =	rddreg [dreg:$0xb]  }
0x20: {  	[tilespmem:s10], [sflag:$0x3] =	stream.linear.gather [hbm4b:s9+s5], $0x80, $0x200038;
	[tilespmem:$0x1B600] =	vst v63  }
0x21: {  	s22 =	simm.s32 @p0 $0x0;
	p0 =	por $0x0, $0x0;
	s11 =	rddreg [dreg:$0xc]  }
0x22: {  	[tilespmem:s12], [sflag:$0x5] =	stream.linear.gather [hbm4b:s11+s5], $0x2800, $0x200038;
	[tilespmem:$0x1B600] =	vst v63  }
0x23: {  	p2 =	seq.s32 @!p0 s22, $0x0;
	_ =	strace $0x90000048  }
0x24: {  	p1 =	por p2, p0;
	s0 =	rddreg [dreg:$0x4]  }
0x25: {  	s0 =	sadd.s32 @!p1 s0, s22  }
0x26: {  	s2 =	sshll.u32 @!p1 s22, $0x7;
	s16 =	simm.s32 @!p1 $0x0;
	s9 =	sshll.u32 @!p1 s0, $0x7  }
0x27: {  	s2 =	sand.u32 @!p1 $0x380, s2;
	s7 =	sand.u32 @!p1 $0x1, s4;
	s9 =	sand.u32 @!p1 $0xFFFFFC00, s9  }
0x28: {  	s15 =	smul.u32 @!p1 $0xA000, s7;
	_ =	strace @!p1 $0x80000049;
	s2 =	sor.u32 @!p1 s2, s9  }
0x29: {  	s11 =	sshll.u32 @!p1 s7, $0x7;
	s1 =	rddreg [dreg:$0x1];
	s2 =	sshrl.u32 @!p1 s2, $0x3  }
0x2a: {  	s10 =	sadd.s32 @!p1 $0x1, s7;
	s9 =	sor.u32 @!p1 $0x16400, s11;
	s17 =	sadd.s32 @!p1 s1, s2  }
0x2b: {  	[tilespmem:s9], [sflag:s10] =	stream.linear.gather @!p1 [hbm4b:s17+s16], $0x80, $0x200038;
	[tilespmem:$0x1B600] =	vst v63  }
0x2c: {  	s0 =	smul.u32 @!p1 $0x2800, s0;
	_ =	strace @!p1 $0x90000049  }
0x2d: {  	s9 =	sadd.s32 @!p1 $0x5, s7;
	s10 =	sor.u32 @!p1 $0x16500, s11;
	s1 =	rddreg [dreg:$0x7]  }
0x2e: {  	s7 =	sadd.s32 @!p1 $0x3, s7;
	_ =	strace @!p1 $0x8000004A;
	s2 =	sadd.s32 @!p1 s1, s2  }
0x2f: {  	[tilespmem:s10], [sflag:s7] =	stream.linear.gather @!p1 [hbm4b:s2+s16], $0x80, $0x200038;
	[tilespmem:$0x1B600] =	vst v63  }
0x30: {  	s0 =	sshrl.u32 @!p1 s0, $0x3;
	s2 =	sshrl.u32 @!p1 s15, $0x2;
	_ =	strace @!p1 $0x9000004A  }
0x31: {  	s0 =	sadd.s32 @!p1 s6, s0;
	s2 =	sadd.s32 @!p1 $0x16600, s2;
	_ =	strace @!p1 $0x8000004B  }
0x32: {  	[tilespmem:s2], [sflag:s9] =	stream.linear.gather @!p1 [hbm4b:s0+s16], $0x2800, $0x200038;
	[tilespmem:$0x1B600] =	vst v63  }
0x33: {  	s13 =	sand.u32 $0x1, s5;
	_ =	strace @!p1 $0x9000004B  }
0x34: {  	s14 =	sadd.s32 $0x1, s13;
	_ =	strace $0x8000004C  }
0x35: {  	_ =	swait.ge [sflag:s14], $0x80  }
0x36: {  	[sflag:s14] =	ssyncset.done $0x0  }
0x37: {  	[sflag:s14] =	ssyncadd.s32 $0xFFFFFF80  }
0x38: {  	_ =	strace $0x9000004C  }
0x39: {  	s15 =	sadd.s32 $0x3, s13;
	_ =	strace $0x8000004D  }
0x3a: {  	_ =	swait.ge [sflag:s15], $0x80  }
0x3b: {  	[sflag:s15] =	ssyncset.done $0x0  }
0x3c: {  	[sflag:s15] =	ssyncadd.s32 $0xFFFFFF80  }
0x3d: {  	s28 =	simm.s32 $0x1;
	s31 =	simm.s32 $0x7E;
	_ =	strace $0x9000004D  }
0x3e: {  	p3 =	sne.s32 s22, $0x0;
	s16 =	sadd.s32 $0x5, s13;
	_ =	strace $0x8000004E  }
0x3f: {  	p2 =	por !p2, p0;
	s7 =	simm.s32 @!p1 $0x2;
	_ =	swait.ge [sflag:s16], $0x2800  }
0x40: {  	s17 =	simm.s32 $0x0;
	s28 =	smov.u32 @p2 s7;
	[sflag:s16] =	ssyncset.done $0x0  }
0x41: {  	s26 =	smov.u32 s28;
	s28 =	smov.u32 @p0 s4;
	[sflag:s16] =	ssyncadd.s32 $0xFFFFD800  }
0x42: {  	s2 =	sand.u32 $0x80, s17;
	s9 =	simm.s32 $0x0;
	_ =	strace $0x9000004E  }
0x43: {  	s26 =	smov.u32 @p0 s4;
	s21 =	sor.u32 $0x16400, s2;
	_ =	strace $0x8000004F  }
0x44: {  	s9 =	simm.s32 @p2 $0x1;
	s23 =	sor.u32 $0x16500, s2;
	s20 =	rddreg [dreg:$0x5]  }
0x45: {  	[tilespmem:s5], [sflag:$0x7] =	stream.indirect.gather [hbm4b:s20+s18], $0x80, s21, s18, $0x2000b8;
	[tilespmem:$0x1B600] =	vst v63  }
0x46: {  	p1 =	por p0, p3;
	s2 =	simm.s32 $0x1;
	_ =	swait.ge [sflag:s19], $0x2800  }
0x47: {  	s9 =	simm.s32 @p0 $0x0;
	s2 =	simm.s32 @!p1 $0x0;
	[sflag:s19] =	ssyncset.done $0x0  }
0x48: {  	p0 =	seq.s32 s13, $0x1;
	s2 =	sadd.s32 $0x0, s2;
	[sflag:s19] =	ssyncadd.s32 $0xFFFFD800  }
0x49: {  	s30 =	sadd.s32 $0x1, s9;
	s9 =	smov.u32 s22;
	s24 =	rddreg [dreg:$0x2]  }
0x4a: {  	[spmem:s24] =	stream.indirect.scatter.add.f32 [tilespmem:s5], [sflag:$0x7], $0x80, s23, s18, $0x2000b8;
	[tilespmem:$0x1B600] =	vst v63  }
0x4b: {  	s25 =	sshll.u32 s2, $0x7;
	s17 =	sand.u32 $0x1, s2;
	_ =	swait.ge [sflag:s19], $0x2800  }
0x4c: {  	s29 =	sand.u32 $0x1, s2;
	s10 =	rddreg [dreg:$0x6];
	[sflag:s19] =	ssyncset.done $0x0  }
0x4d: {  	s0 =	smov.u32 s2;
	[sflag:s19] =	ssyncadd.s32 $0xFFFFD800;
	s10 =	simm.s32 @!p0 $0x16600  }
0x4e: {  	[spmem:s24] =	stream.indirect.scatter.add.f32 [tilespmem:s10], [sflag:$0x7], $0x80, s23, s18, $0x2000b8;
	[tilespmem:$0x1B600] =	vst v63  }
0x4f: {  	s15 =	smov.u32 s2;
	s16 =	simm.s32 $0x7F;
	s24 =	sand.u32 $0x80, s25  }
0x50: {  	s23 =	sand.u32 $0x1, s2;
	_ =	swait.ge [sflag:s19], $0x2800;
	s25 =	smov.u32 s24  }
.LBB2_2:
0x51: {  	s22 =	sadd.s32 $0x1, s22  }
0x52: {  	[sflag:s19] =	ssyncset.done $0x0;
	p1 =	seq.s32 s22, $0x80  }
0x53: {  	[sflag:s19] =	ssyncadd.s32 $0xFFFFD800;
	s22 =	simm.s32 @p1 $0x0;
	p1 =	seq.s32 s16, $0x1  }
0x54: {  	_ =	strace $0x9000004F;
	p4 =	seq.s32 @!p1 s9, s22;
	p2 =	sne.s32 s9, s22  }
0x55: {  	s9 =	sadd.s32 $0x1, s17;
	s16 =	rddreg [dreg:$0x4];
	p3 =	por p4, p1  }
0x56: {  	s17 =	sshll.u32 @!p3 s22, $0x7;
	s12 =	sand.u32 @!p3 $0x1, s28;
	s16 =	sadd.s32 @!p3 s16, s22  }
0x57: {  	s20 =	sand.u32 @!p3 $0x1, s30;
	_ =	strace @!p3 $0x80000049;
	s21 =	sshll.u32 @!p3 s16, $0x7  }
0x58: {  	s1 =	sand.u32 @!p3 $0x1, s26;
	s17 =	sand.u32 @!p3 $0x380, s17;
	s21 =	sand.u32 @!p3 $0xFFFFFC00, s21  }
0x59: {  	s3 =	simm.s32 @!p3 $0x0;
	s8 =	sadd.s32 @!p3 $0x1, s12;
	s17 =	sor.u32 @!p3 s17, s21  }
0x5a: {  	s12 =	sshll.u32 @!p3 s12, $0x7;
	s5 =	rddreg [dreg:$0x1];
	s17 =	sshrl.u32 @!p3 s17, $0x3  }
0x5b: {  	s4 =	smul.u32 @!p3 $0xA000, s20;
	s12 =	sor.u32 @!p3 $0x16400, s12;
	s5 =	sadd.s32 @!p3 s5, s17  }
0x5c: {  	[tilespmem:s12], [sflag:s8] =	stream.linear.gather @!p3 [hbm4b:s5+s3], $0x80, $0x200038;
	[tilespmem:$0x1B600] =	vst v63  }
0x5d: {  	s16 =	smul.u32 @!p3 $0x2800, s16;
	s20 =	sadd.s32 @!p3 $0x5, s20;
	_ =	strace @!p3 $0x90000049  }
0x5e: {  	s21 =	sshll.u32 @!p3 s1, $0x7;
	s1 =	sadd.s32 @!p3 $0x3, s1;
	s5 =	rddreg [dreg:$0x7]  }
0x5f: {  	s21 =	sor.u32 @!p3 $0x16500, s21;
	_ =	strace @!p3 $0x8000004A;
	s5 =	sadd.s32 @!p3 s5, s17  }
0x60: {  	[tilespmem:s21], [sflag:s1] =	stream.linear.gather @!p3 [hbm4b:s5+s3], $0x80, $0x200038;
	[tilespmem:$0x1B600] =	vst v63  }
0x61: {  	s4 =	sshrl.u32 @!p3 s4, $0x2;
	s8 =	sshrl.u32 @!p3 s16, $0x3;
	_ =	strace @!p3 $0x9000004A  }
0x62: {  	s1 =	sadd.s32 @!p3 $0x16600, s4;
	s4 =	sadd.s32 @!p3 s6, s8;
	_ =	strace @!p3 $0x8000004B  }
0x63: {  	[tilespmem:s1], [sflag:s20] =	stream.linear.gather @!p3 [hbm4b:s4+s3], $0x2800, $0x200038;
	[tilespmem:$0x1B600] =	vst v63  }
0x64: {  	_ =	strace @!p3 $0x9000004B  }
0x65: {  	_ =	strace $0x8000004C  }
0x66: {  	_ =	swait.ge [sflag:s9], $0x80  }
0x67: {  	[sflag:s9] =	ssyncset.done $0x0  }
0x68: {  	s11 =	smov.u32 s26;
	[sflag:s9] =	ssyncadd.s32 $0xFFFFFF80  }
0x69: {  	s10 =	smov.u32 s28;
	s7 =	smov.u32 s31;
	_ =	strace $0x9000004C  }
0x6a: {  	s31 =	sadd.s32 $0xFFFFFFFF, s31;
	s8 =	sadd.s32 $0x3, s29;
	_ =	strace $0x8000004D  }
0x6b: {  	p0 =	sne.s32 s31, $0x0;
	p4 =	por !p4, p1;
	_ =	swait.ge [sflag:s8], $0x80  }
0x6c: {  	s13 =	sadd.s32 @!p3 $0x1, s28;
	s14 =	sadd.s32 @!p3 $0x1, s26;
	[sflag:s8] =	ssyncset.done $0x0  }
0x6d: {  	s26 =	smov.u32 @p4 s14;
	s28 =	smov.u32 @p4 s13;
	[sflag:s8] =	ssyncadd.s32 $0xFFFFFF80  }
0x6e: {  	s14 =	simm.s32 $0x0;
	s26 =	smov.u32 @p1 s11;
	_ =	strace $0x9000004D  }
0x6f: {  	s11 =	sadd.s32 $0x5, s23;
	s12 =	simm.s32 $0x0;
	_ =	strace $0x8000004E  }
0x70: {  	s28 =	smov.u32 @p1 s10;
	s12 =	simm.s32 @p4 $0x1;
	_ =	swait.ge [sflag:s11], $0x2800  }
0x71: {  	s16 =	smov.u32 s7;
	s12 =	simm.s32 @p1 $0x0;
	[sflag:s11] =	ssyncset.done $0x0  }
0x72: {  	p1 =	por p1, p2;
	s30 =	sadd.s32 s30, s12;
	[sflag:s11] =	ssyncadd.s32 $0xFFFFD800  }
0x73: {  	s12 =	sor.u32 $0x16400, s24;
	s3 =	simm.s32 $0x1;
	_ =	strace $0x9000004E  }
0x74: {  	s20 =	sor.u32 $0x16500, s25;
	s3 =	simm.s32 @!p1 $0x0;
	_ =	strace $0x8000004F  }
0x75: {  	p1 =	seq.s32 s23, $0x1;
	s2 =	sadd.s32 s3, s2;
	s13 =	rddreg [dreg:$0x5]  }
0x76: {  	[tilespmem:s14], [sflag:$0x7] =	stream.indirect.gather [hbm4b:s13+s18], $0x80, s12, s18, $0x2000b8;
	[tilespmem:$0x1B600] =	vst v63  }
0x77: {  	s0 =	sadd.s32 s3, s0;
	s15 =	sadd.s32 s3, s15;
	_ =	swait.ge [sflag:s19], $0x2800  }
0x78: {  	s17 =	sand.u32 $0x1, s2;
	s29 =	sand.u32 $0x1, s0;
	[sflag:s19] =	ssyncset.done $0x0  }
0x79: {  	s3 =	sand.u32 $0x1, s15;
	s10 =	sshll.u32 s0, $0x7;
	[sflag:s19] =	ssyncadd.s32 $0xFFFFD800  }
0x7a: {  	s5 =	sand.u32 $0x80, s10;
	s9 =	sshll.u32 s2, $0x7;
	s21 =	rddreg [dreg:$0x2]  }
0x7b: {  	[spmem:s21] =	stream.indirect.scatter.add.f32 [tilespmem:s14], [sflag:$0x7], $0x80, s20, s18, $0x2000b8;
	[tilespmem:$0x1B600] =	vst v63  }
.Ltmp0:
0x7c: {  	s4 =	sand.u32 $0x80, s9;
	_ =	swait.ge [sflag:s19], $0x2800;
	(pc) =	sbr.rel @p0 .LBB2_2-.Ltmp0, $4  }
0x7d: {  	s24 =	smov.u32 s4;
	[sflag:s19] =	ssyncset.done $0x0;
	s4 =	rddreg [dreg:$0x6]  }
0x7e: {  	s23 =	smov.u32 s3;
	[sflag:s19] =	ssyncadd.s32 $0xFFFFD800;
	s4 =	simm.s32 @!p1 $0x16600  }
0x7f: {  	[spmem:s21] =	stream.indirect.scatter.add.f32 [tilespmem:s4], [sflag:$0x7], $0x80, s20, s18, $0x2000b8;
	[tilespmem:$0x1B600] =	vst v63  }
0x80: {  	s25 =	smov.u32 s5;
	s9 =	smov.u32 s22;
	_ =	swait.ge [sflag:s19], $0x2800  }
0x81: {  	s0 =	sadd.s32 $0x1, s22  }
0x82: {  	[sflag:s19] =	ssyncset.done $0x0;
	p0 =	seq.s32 s0, $0x80  }
0x83: {  	[sflag:s19] =	ssyncadd.s32 $0xFFFFD800;
	s0 =	simm.s32 @p0 $0x0;
	p0 =	seq.s32 s16, $0x1  }
0x84: {  	_ =	strace $0x9000004F;
	p1 =	seq.s32 @!p0 s9, s0  }
0x85: {  	s1 =	rddreg [dreg:$0x4];
	p0 =	por p1, p0  }
0x86: {  	s1 =	sadd.s32 @!p0 s1, s0  }
0x87: {  	s0 =	sshll.u32 @!p0 s0, $0x7;
	s2 =	sshll.u32 @!p0 s1, $0x7  }
0x88: {  	s3 =	sand.u32 @!p0 $0x1, s28;
	s0 =	sand.u32 @!p0 $0x380, s0;
	s2 =	sand.u32 @!p0 $0xFFFFFC00, s2  }
0x89: {  	_ =	strace @!p0 $0x80000049;
	s4 =	sadd.s32 @!p0 $0x1, s3;
	s0 =	sor.u32 @!p0 s0, s2  }
0x8a: {  	s5 =	rddreg [dreg:$0x1];
	s2 =	sshll.u32 @!p0 s3, $0x7;
	s0 =	sshrl.u32 @!p0 s0, $0x3  }
0x8b: {  	s3 =	simm.s32 @!p0 $0x0;
	s2 =	sor.u32 @!p0 $0x16400, s2;
	s5 =	sadd.s32 @!p0 s5, s0  }
0x8c: {  	[tilespmem:s2], [sflag:s4] =	stream.linear.gather @!p0 [hbm4b:s5+s3], $0x80, $0x200038;
	[tilespmem:$0x1B600] =	vst v63  }
0x8d: {  	s2 =	sand.u32 @!p0 $0x1, s26;
	_ =	strace @!p0 $0x90000049  }
0x8e: {  	s4 =	sshll.u32 @!p0 s2, $0x7;
	s2 =	sadd.s32 @!p0 $0x3, s2;
	s5 =	rddreg [dreg:$0x7]  }
0x8f: {  	s4 =	sor.u32 @!p0 $0x16500, s4;
	_ =	strace @!p0 $0x8000004A;
	s0 =	sadd.s32 @!p0 s5, s0  }
0x90: {  	[tilespmem:s4], [sflag:s2] =	stream.linear.gather @!p0 [hbm4b:s0+s3], $0x80, $0x200038;
	[tilespmem:$0x1B600] =	vst v63  }
0x91: {  	s1 =	smul.u32 @!p0 $0x2800, s1;
	s0 =	sand.u32 @!p0 $0x1, s30  }
0x92: {  	s2 =	smul.u32 @!p0 $0xA000, s0  }
0x93: {  	s1 =	sshrl.u32 @!p0 s1, $0x3  }
0x94: {  	s1 =	sadd.s32 @!p0 s6, s1;
	_ =	strace @!p0 $0x9000004A;
	s2 =	sshrl.u32 @!p0 s2, $0x2  }
0x95: {  	s0 =	sadd.s32 @!p0 $0x5, s0;
	_ =	strace @!p0 $0x8000004B;
	s2 =	sadd.s32 @!p0 $0x16600, s2  }
0x96: {  	[tilespmem:s2], [sflag:s0] =	stream.linear.gather @!p0 [hbm4b:s1+s3], $0x2800, $0x200038;
	[tilespmem:$0x1B600] =	vst v63  }
0x97: {  	_ =	strace @!p0 $0x9000004B  }
0x98: {  	s16 =	sadd.s32 $0x1, s17;
	_ =	strace $0x8000004C  }
0x99: {  	_ =	swait.ge [sflag:s16], $0x80  }
0x9a: {  	[sflag:s16] =	ssyncset.done $0x0  }
0x9b: {  	[sflag:s16] =	ssyncadd.s32 $0xFFFFFF80  }
0x9c: {  	_ =	strace $0x9000004C  }
0x9d: {  	s17 =	sadd.s32 $0x3, s29;
	_ =	strace $0x8000004D  }
0x9e: {  	_ =	swait.ge [sflag:s17], $0x80  }
0x9f: {  	[sflag:s17] =	ssyncset.done $0x0  }
0xa0: {  	[sflag:s17] =	ssyncadd.s32 $0xFFFFFF80  }
0xa1: {  	_ =	strace $0x9000004D  }
0xa2: {  	s20 =	sadd.s32 $0x5, s23;
	_ =	strace $0x8000004E  }
0xa3: {  	_ =	swait.ge [sflag:s20], $0x2800  }
0xa4: {  	[sflag:s20] =	ssyncset.done $0x0  }
0xa5: {  	[sflag:s20] =	ssyncadd.s32 $0xFFFFD800  }
0xa6: {  	_ =	strace $0x9000004E  }
0xa7: {  	_ =	strace $0x8000004F  }
0xa8: {  	s22 =	sor.u32 $0x16400, s24;
	s24 =	simm.s32 $0x0;
	s21 =	rddreg [dreg:$0x5]  }
0xa9: {  	[tilespmem:s24], [sflag:$0x7] =	stream.indirect.gather [hbm4b:s21+s18], $0x80, s22, s18, $0x2000b8;
	[tilespmem:$0x1B600] =	vst v63  }
0xaa: {  	_ =	swait.ge [sflag:s19], $0x2800  }
0xab: {  	[sflag:s19] =	ssyncset.done $0x0  }
0xac: {  	[sflag:s19] =	ssyncadd.s32 $0xFFFFD800  }
0xad: {  	s26 =	sor.u32 $0x16500, s25;
	s28 =	rddreg [dreg:$0x2]  }
0xae: {  	[spmem:s28] =	stream.indirect.scatter.add.f32 [tilespmem:s24], [sflag:$0x7], $0x80, s26, s18, $0x2000b8;
	[tilespmem:$0x1B600] =	vst v63  }
0xaf: {  	_ =	swait.ge [sflag:s19], $0x2800  }
0xb0: {  	p0 =	seq.s32 s23, $0x1;
	s1 =	rddreg [dreg:$0x6];
	[sflag:s19] =	ssyncset.done $0x0  }
0xb1: {  	[sflag:s19] =	ssyncadd.s32 $0xFFFFD800;
	s1 =	simm.s32 @!p0 $0x16600  }
0xb2: {  	[spmem:s28] =	stream.indirect.scatter.add.f32 [tilespmem:s1], [sflag:$0x7], $0x80, s26, s18, $0x2000b8;
	[tilespmem:$0x1B600] =	vst v63  }
0xb3: {  	_ =	swait.ge [sflag:s19], $0x2800  }
0xb4: {  	[sflag:s19] =	ssyncset.done $0x0  }
0xb5: {  	[sflag:s19] =	ssyncadd.s32 $0xFFFFD800  }
0xb6: {  	_ =	strace $0x9000004F  }
0xb7: {  	[bflag:$0x0] =	sbarrier.arrive $0xFFFF  }
0xb8: {  	s3 =	rddreg [dreg:$0x9]  }
0xb9: {  	s29 =	rddreg [dreg:$0xd]  }
0xba: {  	s4 =	simm.s32 $0x1;
	s1 =	rddreg [dreg:$0xf]  }
0xbb: {  	[hbm:s29], [sflag:s3] =	dma.local [spmem:s1], $0x2780  }
0xbc: {  	_ =	swait.ge [sflag:s4], $0x2780  }
0xbd: {  	s30 =	rddreg [dreg:$0x10]  }
0xbe: {  	s31 =	rddreg [dreg:$0xe];
	s2 =	sadd.s32 $0x1, s30  }
0xbf: {  	p0 =	sne.s32 s2, s31  }
.Ltmp1:
0xc0: {  	_ = 	snop;
	(pc) =	sbr.rel @p0 .LBB2_1-.Ltmp1, $3  }
0xc1: {  	_ =	sdelay $0x1  }
0xc2: {  	[sflag:s4] =	ssyncset.done $0x0  }
0xc3: {  	[sflag:s4] =	ssyncadd.s32 $0xFFFFD880  }
0xc4: {  	_ =	sfence.sel $0x180000  }
0xc5: {  	[bflag:$0x0] =	sbarrier.arrive $0xFFFF  }
0xc6: {  	_ =	strace $0x90000047  }
0xc7: {  	s0 =	stileid.u32;
	[bflag:$0x2] =	sbarrier.arrive $0xFFFF  }
0xc8: {  	p0 =	sne.s32 s0, $0x0;
	s0 =	rddreg [dreg:$0x3]  }
0xc9: {  	s0 =	sadd.s32 @!p0 $0x100000, s0  }
0xca: {  	[sflag:s0] =	ssyncadd.tile.s32 @!p0 $0x1;
	_ =	shalt  }
.Lfunc_end2:
_tile_overlayer_lowered:
.L_overlay_start_2:
0xcb: {  	(tag) =	ssettag $0x2  }
0xcc: {  	s0 =	rddreg [dreg:$0x0];
	s2 =	stileid.u32  }
0xcd: {  	s1 =	rddreg [dreg:$0x1];
	p0 =	sne.s32 s2, $0x0  }
0xce: {  	s3 =	rddreg [dreg:$0x2];
	[bflag:$0x3] =	sbarrier.arrive $0xFFFF;
	s2 =	simm.s32 @!p0 $0x1C01  }
0xcf: {  	[timem:s3], [sflag:s2] =	dma.local @!p0 [hbm:s0], s1  }
0xd0: {  	s0 =	simm.s32 @!p0 $0x1  }
0xd1: {  	_ =	swait.ge @!p0 [sflag:s0], s1  }
0xd2: {  	s1 =	ssub.s32 @!p0 $0x0, s1;
	[sflag:s0] =	ssyncset.done @!p0 $0x0  }
0xd3: {  	[sflag:s0] =	ssyncadd.s32 @!p0 s1  }
0xd4: {  	[bflag:$0x3] =	sbarrier.arrive $0xFFFF  }
0xd5: {  	_ =	shalt  }

</sc_bundles>
